<compile_context>
chip_gen: v7x
topology: tpu7x:2x2x1
jax: 0.10.2.dev20260603
libtpu: 0.0.44.dev20260713+nightly
codegen_flags: <defaults>
</compile_context>

<pallas_src>
import functools

import jax
import jax.numpy as jnp
from jax import lax
from jax.experimental import pallas as pl
from jax.experimental.pallas import tpu as pltpu
from jax.experimental.pallas import tpu_sc as plsc

N = 10000
D = 128
E = 320000

NC = 2
NS = 16
NW = NC * NS
CHUNK = 120
CH = 84
E_PAD = NW * CH * CHUNK
N_PAD = 10112
RPS = N_PAD // NS
UNROLL = 6
NIB = 6
NRB = 3


def _sc_aggregate(x, src, dst, zeros):
    mesh = plsc.VectorSubcoreMesh(core_axis_name="c", subcore_axis_name="s")

    @functools.partial(
        pl.kernel,
        out_type=jax.ShapeDtypeStruct((NC, N_PAD, D), jnp.float32),
        mesh=mesh,
        scratch_types=[
            [pltpu.VMEM((CHUNK,), jnp.int32) for _ in range(NIB)],
            [pltpu.VMEM((CHUNK,), jnp.int32) for _ in range(NIB)],
            [pltpu.VMEM((CHUNK, D), jnp.float32) for _ in range(NRB)],
            pltpu.VMEM_SHARED((N_PAD, D), jnp.float32),
            [pltpu.SemaphoreType.DMA for _ in range(NIB)],
            [pltpu.SemaphoreType.DMA for _ in range(NRB)],
            [pltpu.SemaphoreType.DMA for _ in range(NRB)],
        ],
    )
    def agg_kernel(x_hbm, src_hbm, dst_hbm, z_hbm, out_hbm,
                   sidx, didx, rows, acc_sh, isem, gsem, ssem):
        c = lax.axis_index("c")
        s = lax.axis_index("s")
        wid = c * NS + s
        base = wid * (CH * CHUNK)

        def start_idx(i, r):
            off = base + i * CHUNK
            pltpu.async_copy(src_hbm.at[pl.ds(off, CHUNK)], sidx[r], isem[r])
            pltpu.async_copy(dst_hbm.at[pl.ds(off, CHUNK)], didx[r], isem[r])

        def wait_idx(r):
            pltpu.make_async_copy(
                src_hbm.at[pl.ds(0, CHUNK)], sidx[r], isem[r]).wait()
            pltpu.make_async_copy(
                dst_hbm.at[pl.ds(0, CHUNK)], didx[r], isem[r]).wait()

        def start_gather(r, b):
            pltpu.async_copy(x_hbm.at[sidx[r]], rows[b], gsem[b])

        def wait_gather(b):
            pltpu.make_async_copy(
                x_hbm.at[sidx[0]], rows[b], gsem[b]).wait()

        def start_scatter(r, b):
            pltpu.async_copy(rows[b], acc_sh.at[didx[r]], ssem[b], add=True)

        def wait_scatter(b):
            pltpu.make_async_copy(
                rows[b], acc_sh.at[didx[0]], ssem[b]).wait()

        for r in range(4):
            start_idx(r, r)
        pltpu.sync_copy(z_hbm.at[pl.ds(s * RPS, RPS)],
                        acc_sh.at[pl.ds(s * RPS, RPS)])
        wait_idx(0)
        start_gather(0, 0)
        wait_idx(1)
        start_gather(1, 1)
        plsc.subcore_barrier()

        def body(g, carry):
            for k in range(UNROLL):
                i = UNROLL * g + k
                b = k % NRB
                wait_gather(b)
                start_scatter(k, b)

                @pl.when(i > 0)
                def _():
                    wait_scatter((k + NRB - 1) % NRB)

                @pl.when(i + 4 < CH)
                def _():
                    start_idx(i + 4, (k + 4) % NIB)

                @pl.when(i + 2 < CH)
                def _():
                    wait_idx((k + 2) % NIB)
                    start_gather((k + 2) % NIB, (k + 2) % NRB)

            return carry

        lax.fori_loop(0, CH // UNROLL, body, 0)
        wait_scatter((CH - 1) % NRB)
        plsc.subcore_barrier()

        pltpu.sync_copy(acc_sh.at[pl.ds(s * RPS, RPS)],
                        out_hbm.at[c, pl.ds(s * RPS, RPS)])

    return agg_kernel(x, src, dst, zeros)


BLK = 2000


def _xw1_kernel(eps_ref, x_ref, w1_ref, b1_ref, a_ref):
    h = x_ref[...] * (1.0 + eps_ref[0])
    a_ref[...] = (jnp.dot(h, w1_ref[...], preferred_element_type=jnp.float32)
                  + b1_ref[...])


def _xw1(eps, x, W1, b1):
    grid = (N // BLK,)
    row_spec = pl.BlockSpec((BLK, D), lambda i: (i, 0))
    full_spec = pl.BlockSpec((D, D), lambda i: (0, 0))
    bias_spec = pl.BlockSpec((1, D), lambda i: (0, 0))
    return pl.pallas_call(
        _xw1_kernel,
        grid=grid,
        in_specs=[pl.BlockSpec(memory_space=pltpu.SMEM),
                  row_spec, full_spec, bias_spec],
        out_specs=row_spec,
        out_shape=jax.ShapeDtypeStruct((N, D), jnp.float32),
    )(eps, x, W1, b1)


def _mlp_kernel(a_ref, p_ref, w1_ref, w2_ref, b2_ref, o_ref):
    agg = p_ref[0, :, :] + p_ref[1, :, :]
    h = a_ref[...] + jnp.dot(agg, w1_ref[...],
                             preferred_element_type=jnp.float32)
    h = jnp.maximum(h, 0.0)
    o = jnp.dot(h, w2_ref[...], preferred_element_type=jnp.float32)
    o_ref[...] = o + b2_ref[...]


def _mlp(a, partials, W1, W2, b2):
    grid = (N // BLK,)
    row_spec = pl.BlockSpec((BLK, D), lambda i: (i, 0))
    part_spec = pl.BlockSpec((NC, BLK, D), lambda i: (0, i, 0))
    full_spec = pl.BlockSpec((D, D), lambda i: (0, 0))
    bias_spec = pl.BlockSpec((1, D), lambda i: (0, 0))
    return pl.pallas_call(
        _mlp_kernel,
        grid=grid,
        in_specs=[row_spec, part_spec, full_spec, full_spec, bias_spec],
        out_specs=row_spec,
        out_shape=jax.ShapeDtypeStruct((N, D), jnp.float32),
    )(a, partials, W1, W2, b2)


def kernel(x, edge_index, eps, W1, b1, W2, b2):
    src = edge_index[0].astype(jnp.int32)
    dst = edge_index[1].astype(jnp.int32)
    pad = E_PAD - E
    pad_ids = jnp.arange(pad, dtype=jnp.int32)
    src_p = jnp.concatenate([src, pad_ids % N])
    dst_p = jnp.concatenate([dst, N + pad_ids % (N_PAD - N)])
    zeros = jnp.zeros((N_PAD, D), jnp.float32)

    partials = _sc_aggregate(x, src_p, dst_p, zeros)

    eps1 = jnp.reshape(eps, (1,)).astype(jnp.float32)
    a = _xw1(eps1, x, W1, jnp.reshape(b1, (1, D)))
    return _mlp(a, partials, W1, W2, jnp.reshape(b2, (1, D)))

# --- scband reference (transcript-rebuilt; emitter-appended) ---
"""Pipeline reference for scband-ginconv-sequential-relu-45414984188293 (READ-ONLY COPY).

The authoritative reference and input builder live on the scoring server;
editing this copy changes nothing except your own understanding.
"""

import jax, jax.numpy as jnp
import numpy as np

N = 10000
E = 320000
D_IN = 128
D_OUT = 128

def setup_inputs(seed: int = 0) -> dict:
    key = jax.random.key(seed)
    k_x, k_e, k_w1, k_b1, k_w2, k_b2 = jax.random.split(key, 6)
    x = jax.random.normal(k_x, (N, D_IN), dtype=jnp.float32)
    edge_index = jax.random.randint(k_e, (2, E), 0, N, dtype=jnp.int64)
    # GIN learnable epsilon (train_eps=True, init 0.0)
    eps = jnp.zeros((), dtype=jnp.float32)
    # MLP params: Linear(D_IN, D_OUT) -> ReLU -> Linear(D_OUT, D_OUT)
    s1 = 1.0 / np.sqrt(D_IN)
    s2 = 1.0 / np.sqrt(D_OUT)
    W1 = jax.random.uniform(k_w1, (D_IN, D_OUT), minval=-s1, maxval=s1, dtype=jnp.float32)
    b1 = jax.random.uniform(k_b1, (D_OUT,), minval=-s1, maxval=s1, dtype=jnp.float32)
    W2 = jax.random.uniform(k_w2, (D_OUT, D_OUT), minval=-s2, maxval=s2, dtype=jnp.float32)
    b2 = jax.random.uniform(k_b2, (D_OUT,), minval=-s2, maxval=s2, dtype=jnp.float32)
    return {"x": x, "edge_index": edge_index, "eps": eps, "W1": W1, "b1": b1, "W2": W2, "b2": b2}

def reference(x, edge_index, eps, W1, b1, W2, b2):
    # GINConv: out = MLP((1 + eps) * x + sum_{j in N(i)} x_j)
    src = edge_index[0]
    dst = edge_index[1]
    msgs = jnp.take(x, src, axis=0)                      # gather (SparseCore)
    agg = jnp.zeros((x.shape[0], x.shape[1]), dtype=x.dtype).at[dst].add(msgs)  # scatter-add
    h = (1.0 + eps) * x + agg
    h = jnp.maximum(h @ W1 + b1, 0.0)
    out = h @ W2 + b2
    return out

if __name__ == "__main__":
    import jax
    _d = setup_inputs()
    print(jax.jit(kernel)(*tuple(_d.values())))

</pallas_src>

<mosaic_0001>
#map = affine_map<(d0, d1) -> (0, 0)>
#map1 = affine_map<(d0, d1) -> (0)>
#map2 = affine_map<(d0, d1) -> (0, 0, 0)>
module attributes {stable_mosaic.version = 14 : i64} {
  func.func @agg_kernel(%arg0: i32, %arg1: i32, %arg2: memref<10000x128xf32, #tpu.memory_space<hbm>>, %arg3: memref<322560xi32, #tpu.memory_space<hbm>>, %arg4: memref<322560xi32, #tpu.memory_space<hbm>>, %arg5: memref<10112x128xf32, #tpu.memory_space<hbm>>, %arg6: memref<2x10112x128xf32, #tpu.memory_space<hbm>>, %arg7: memref<120xi32, #tpu.memory_space<vmem>>, %arg8: memref<120xi32, #tpu.memory_space<vmem>>, %arg9: memref<120xi32, #tpu.memory_space<vmem>>, %arg10: memref<120xi32, #tpu.memory_space<vmem>>, %arg11: memref<120xi32, #tpu.memory_space<vmem>>, %arg12: memref<120xi32, #tpu.memory_space<vmem>>, %arg13: memref<120xi32, #tpu.memory_space<vmem>>, %arg14: memref<120xi32, #tpu.memory_space<vmem>>, %arg15: memref<120xi32, #tpu.memory_space<vmem>>, %arg16: memref<120xi32, #tpu.memory_space<vmem>>, %arg17: memref<120xi32, #tpu.memory_space<vmem>>, %arg18: memref<120xi32, #tpu.memory_space<vmem>>, %arg19: memref<120x128xf32, #tpu.memory_space<vmem>>, %arg20: memref<120x128xf32, #tpu.memory_space<vmem>>, %arg21: memref<120x128xf32, #tpu.memory_space<vmem>>, %arg22: memref<10112x128xf32, #tpu.memory_space<vmem_shared>>, %arg23: memref<!tpu.dma_semaphore, #tpu.memory_space<semaphore_mem>>, %arg24: memref<!tpu.dma_semaphore, #tpu.memory_space<semaphore_mem>>, %arg25: memref<!tpu.dma_semaphore, #tpu.memory_space<semaphore_mem>>, %arg26: memref<!tpu.dma_semaphore, #tpu.memory_space<semaphore_mem>>, %arg27: memref<!tpu.dma_semaphore, #tpu.memory_space<semaphore_mem>>, %arg28: memref<!tpu.dma_semaphore, #tpu.memory_space<semaphore_mem>>, %arg29: memref<!tpu.dma_semaphore, #tpu.memory_space<semaphore_mem>>, %arg30: memref<!tpu.dma_semaphore, #tpu.memory_space<semaphore_mem>>, %arg31: memref<!tpu.dma_semaphore, #tpu.memory_space<semaphore_mem>>, %arg32: memref<!tpu.dma_semaphore, #tpu.memory_space<semaphore_mem>>, %arg33: memref<!tpu.dma_semaphore, #tpu.memory_space<semaphore_mem>>, %arg34: memref<!tpu.dma_semaphore, #tpu.memory_space<semaphore_mem>>) attributes {dimension_semantics = [#tpu.dimension_semantics<core_parallel>, #tpu.dimension_semantics<subcore_parallel>], iteration_bounds = array<i64: 2, 16>, scalar_prefetch = 0 : i64, scratch_operands = 28 : i64, tpu.core_type = #tpu.core_type<sc_vector_subcore>, window_params = [{transform_indices = #map}, {transform_indices = #map1}, {transform_indices = #map1}, {transform_indices = #map}, {transform_indices = #map2}]} {
    %mul3A = arith.constant 16 : i32
    %mul3A_0 = arith.muli %arg0, %mul3A : i32
    %add3A = arith.addi %mul3A_0, %arg1 : i32
    %mul3A_1 = arith.constant 10080 : i32
    %mul3A_2 = arith.muli %add3A, %mul3A_1 : i32
    %add3A_3 = arith.constant 0 : i32
    %add3A_4 = arith.addi %mul3A_2, %add3A_3 : i32
    %dma_start3A = tpu.memref_slice %arg3[%add3A_4] : memref<322560xi32, #tpu.memory_space<hbm>> -> memref<120xi32, #tpu.memory_space<hbm>>
    %dma_start3A_5 = tpu.memref_slice %arg3[%add3A_4] : memref<322560xi32, #tpu.memory_space<hbm>> -> memref<120xi32, #tpu.memory_space<hbm>>
    tpu.enqueue_dma source(%dma_start3A_5 : memref<120xi32, #tpu.memory_space<hbm>>) target(%arg7 : memref<120xi32, #tpu.memory_space<vmem>>) target_semaphore(%arg23 : memref<!tpu.dma_semaphore, #tpu.memory_space<semaphore_mem>>)
    %dma_start3A_6 = tpu.memref_slice %arg4[%add3A_4] : memref<322560xi32, #tpu.memory_space<hbm>> -> memref<120xi32, #tpu.memory_space<hbm>>
    %dma_start3A_7 = tpu.memref_slice %arg4[%add3A_4] : memref<322560xi32, #tpu.memory_space<hbm>> -> memref<120xi32, #tpu.memory_space<hbm>>
    tpu.enqueue_dma source(%dma_start3A_7 : memref<120xi32, #tpu.memory_space<hbm>>) target(%arg13 : memref<120xi32, #tpu.memory_space<vmem>>) target_semaphore(%arg23 : memref<!tpu.dma_semaphore, #tpu.memory_space<semaphore_mem>>)
    %add3A_8 = arith.constant 120 : i32
    %add3A_9 = arith.addi %mul3A_2, %add3A_8 : i32
    %dma_start3A_10 = tpu.memref_slice %arg3[%add3A_9] : memref<322560xi32, #tpu.memory_space<hbm>> -> memref<120xi32, #tpu.memory_space<hbm>>
    %dma_start3A_11 = tpu.memref_slice %arg3[%add3A_9] : memref<322560xi32, #tpu.memory_space<hbm>> -> memref<120xi32, #tpu.memory_space<hbm>>
    tpu.enqueue_dma source(%dma_start3A_11 : memref<120xi32, #tpu.memory_space<hbm>>) target(%arg8 : memref<120xi32, #tpu.memory_space<vmem>>) target_semaphore(%arg24 : memref<!tpu.dma_semaphore, #tpu.memory_space<semaphore_mem>>)
    %dma_start3A_12 = tpu.memref_slice %arg4[%add3A_9] : memref<322560xi32, #tpu.memory_space<hbm>> -> memref<120xi32, #tpu.memory_space<hbm>>
    %dma_start3A_13 = tpu.memref_slice %arg4[%add3A_9] : memref<322560xi32, #tpu.memory_space<hbm>> -> memref<120xi32, #tpu.memory_space<hbm>>
    tpu.enqueue_dma source(%dma_start3A_13 : memref<120xi32, #tpu.memory_space<hbm>>) target(%arg14 : memref<120xi32, #tpu.memory_space<vmem>>) target_semaphore(%arg24 : memref<!tpu.dma_semaphore, #tpu.memory_space<semaphore_mem>>)
    %add3A_14 = arith.constant 240 : i32
    %add3A_15 = arith.addi %mul3A_2, %add3A_14 : i32
    %dma_start3A_16 = tpu.memref_slice %arg3[%add3A_15] : memref<322560xi32, #tpu.memory_space<hbm>> -> memref<120xi32, #tpu.memory_space<hbm>>
    %dma_start3A_17 = tpu.memref_slice %arg3[%add3A_15] : memref<322560xi32, #tpu.memory_space<hbm>> -> memref<120xi32, #tpu.memory_space<hbm>>
    tpu.enqueue_dma source(%dma_start3A_17 : memref<120xi32, #tpu.memory_space<hbm>>) target(%arg9 : memref<120xi32, #tpu.memory_space<vmem>>) target_semaphore(%arg25 : memref<!tpu.dma_semaphore, #tpu.memory_space<semaphore_mem>>)
    %dma_start3A_18 = tpu.memref_slice %arg4[%add3A_15] : memref<322560xi32, #tpu.memory_space<hbm>> -> memref<120xi32, #tpu.memory_space<hbm>>
    %dma_start3A_19 = tpu.memref_slice %arg4[%add3A_15] : memref<322560xi32, #tpu.memory_space<hbm>> -> memref<120xi32, #tpu.memory_space<hbm>>
    tpu.enqueue_dma source(%dma_start3A_19 : memref<120xi32, #tpu.memory_space<hbm>>) target(%arg15 : memref<120xi32, #tpu.memory_space<vmem>>) target_semaphore(%arg25 : memref<!tpu.dma_semaphore, #tpu.memory_space<semaphore_mem>>)
    %add3A_20 = arith.constant 360 : i32
    %add3A_21 = arith.addi %mul3A_2, %add3A_20 : i32
    %dma_start3A_22 = tpu.memref_slice %arg3[%add3A_21] : memref<322560xi32, #tpu.memory_space<hbm>> -> memref<120xi32, #tpu.memory_space<hbm>>
    %dma_start3A_23 = tpu.memref_slice %arg3[%add3A_21] : memref<322560xi32, #tpu.memory_space<hbm>> -> memref<120xi32, #tpu.memory_space<hbm>>
    tpu.enqueue_dma source(%dma_start3A_23 : memref<120xi32, #tpu.memory_space<hbm>>) target(%arg10 : memref<120xi32, #tpu.memory_space<vmem>>) target_semaphore(%arg26 : memref<!tpu.dma_semaphore, #tpu.memory_space<semaphore_mem>>)
    %dma_start3A_24 = tpu.memref_slice %arg4[%add3A_21] : memref<322560xi32, #tpu.memory_space<hbm>> -> memref<120xi32, #tpu.memory_space<hbm>>
    %dma_start3A_25 = tpu.memref_slice %arg4[%add3A_21] : memref<322560xi32, #tpu.memory_space<hbm>> -> memref<120xi32, #tpu.memory_space<hbm>>
    tpu.enqueue_dma source(%dma_start3A_25 : memref<120xi32, #tpu.memory_space<hbm>>) target(%arg16 : memref<120xi32, #tpu.memory_space<vmem>>) target_semaphore(%arg26 : memref<!tpu.dma_semaphore, #tpu.memory_space<semaphore_mem>>)
    %mul3A_26 = arith.constant 632 : i32
    %mul3A_27 = arith.muli %arg1, %mul3A_26 : i32
    %mul3A_28 = arith.constant 632 : i32
    %mul3A_29 = arith.muli %arg1, %mul3A_28 : i32
    "tpu.region"() ({
      %run_scoped3A = tpu.sem_alloc : memref<!tpu.dma_semaphore, #tpu.memory_space<semaphore_mem>>
      %dma_start3A_64 = arith.constant 0 : i32
      %dma_start3A_65 = tpu.memref_slice %arg22[%mul3A_29, %dma_start3A_64] : memref<10112x128xf32, #tpu.memory_space<vmem_shared>> -> memref<632x128xf32, #tpu.memory_space<vmem_shared>>
      %dma_start3A_66 = arith.constant 0 : i32
      %dma_start3A_67 = tpu.memref_slice %arg5[%mul3A_27, %dma_start3A_66] : memref<10112x128xf32, #tpu.memory_space<hbm>> -> memref<632x128xf32, #tpu.memory_space<hbm>>
      tpu.enqueue_dma source(%dma_start3A_67 : memref<632x128xf32, #tpu.memory_space<hbm>>) target(%dma_start3A_65 : memref<632x128xf32, #tpu.memory_space<vmem_shared>>) target_semaphore(%run_scoped3A : memref<!tpu.dma_semaphore, #tpu.memory_space<semaphore_mem>>)
      %dma_wait3A_68 = arith.constant 0 : i32
      %dma_wait3A_69 = tpu.memref_slice %arg22[%mul3A_29, %dma_wait3A_68] : memref<10112x128xf32, #tpu.memory_space<vmem_shared>> -> memref<632x128xf32, #tpu.memory_space<vmem_shared>>
      %dma_wait3A_70 = arith.constant 0 : i32
      %dma_wait3A_71 = tpu.memref_slice %arg5[%mul3A_27, %dma_wait3A_70] : memref<10112x128xf32, #tpu.memory_space<hbm>> -> memref<632x128xf32, #tpu.memory_space<hbm>>
      tpu.wait_dma2 semaphore(%run_scoped3A : memref<!tpu.dma_semaphore, #tpu.memory_space<semaphore_mem>>) src(%dma_wait3A_71 : memref<632x128xf32, #tpu.memory_space<hbm>>) dst(%dma_wait3A_69 : memref<632x128xf32, #tpu.memory_space<vmem_shared>>)
      tpu.yield
    }) : () -> ()
    %dma_wait3A = arith.constant 0 : i32
    %dma_wait3A_30 = tpu.memref_slice %arg3[%dma_wait3A] : memref<322560xi32, #tpu.memory_space<hbm>> -> memref<120xi32, #tpu.memory_space<hbm>>
    %dma_wait3A_31 = arith.constant 0 : i32
    %dma_wait3A_32 = tpu.memref_slice %arg3[%dma_wait3A_31] : memref<322560xi32, #tpu.memory_space<hbm>> -> memref<120xi32, #tpu.memory_space<hbm>>
    tpu.wait_dma2 semaphore(%arg23 : memref<!tpu.dma_semaphore, #tpu.memory_space<semaphore_mem>>) src(%dma_wait3A_32 : memref<120xi32, #tpu.memory_space<hbm>>) dst(%arg7 : memref<120xi32, #tpu.memory_space<vmem>>)
    %dma_wait3A_33 = arith.constant 0 : i32
    %dma_wait3A_34 = tpu.memref_slice %arg4[%dma_wait3A_33] : memref<322560xi32, #tpu.memory_space<hbm>> -> memref<120xi32, #tpu.memory_space<hbm>>
    %dma_wait3A_35 = arith.constant 0 : i32
    %dma_wait3A_36 = tpu.memref_slice %arg4[%dma_wait3A_35] : memref<322560xi32, #tpu.memory_space<hbm>> -> memref<120xi32, #tpu.memory_space<hbm>>
    tpu.wait_dma2 semaphore(%arg23 : memref<!tpu.dma_semaphore, #tpu.memory_space<semaphore_mem>>) src(%dma_wait3A_36 : memref<120xi32, #tpu.memory_space<hbm>>) dst(%arg13 : memref<120xi32, #tpu.memory_space<vmem>>)
    %dma_start3A_37 = arith.constant 0 : i32
    %dma_start3A_38 = arith.constant 0 : i32
    %dma_start3A_39 = tpu.memref_slice %arg2[%dma_start3A_37, %dma_start3A_38] : memref<10000x128xf32, #tpu.memory_space<hbm>> -> memref<10000x128xf32, #tpu.memory_space<hbm>>
    tpu.enqueue_indirect_dma source(%dma_start3A_39 : memref<10000x128xf32, #tpu.memory_space<hbm>>) target(%arg19 : memref<120x128xf32, #tpu.memory_space<vmem>>) offsets(%arg7 : memref<120xi32, #tpu.memory_space<vmem>>) semaphore(%arg29 : memref<!tpu.dma_semaphore, #tpu.memory_space<semaphore_mem>>)
    %dma_wait3A_40 = arith.constant 0 : i32
    %dma_wait3A_41 = tpu.memref_slice %arg3[%dma_wait3A_40] : memref<322560xi32, #tpu.memory_space<hbm>> -> memref<120xi32, #tpu.memory_space<hbm>>
    %dma_wait3A_42 = arith.constant 0 : i32
    %dma_wait3A_43 = tpu.memref_slice %arg3[%dma_wait3A_42] : memref<322560xi32, #tpu.memory_space<hbm>> -> memref<120xi32, #tpu.memory_space<hbm>>
    tpu.wait_dma2 semaphore(%arg24 : memref<!tpu.dma_semaphore, #tpu.memory_space<semaphore_mem>>) src(%dma_wait3A_43 : memref<120xi32, #tpu.memory_space<hbm>>) dst(%arg8 : memref<120xi32, #tpu.memory_space<vmem>>)
    %dma_wait3A_44 = arith.constant 0 : i32
    %dma_wait3A_45 = tpu.memref_slice %arg4[%dma_wait3A_44] : memref<322560xi32, #tpu.memory_space<hbm>> -> memref<120xi32, #tpu.memory_space<hbm>>
    %dma_wait3A_46 = arith.constant 0 : i32
    %dma_wait3A_47 = tpu.memref_slice %arg4[%dma_wait3A_46] : memref<322560xi32, #tpu.memory_space<hbm>> -> memref<120xi32, #tpu.memory_space<hbm>>
    tpu.wait_dma2 semaphore(%arg24 : memref<!tpu.dma_semaphore, #tpu.memory_space<semaphore_mem>>) src(%dma_wait3A_47 : memref<120xi32, #tpu.memory_space<hbm>>) dst(%arg14 : memref<120xi32, #tpu.memory_space<vmem>>)
    %dma_start3A_48 = arith.constant 0 : i32
    %dma_start3A_49 = arith.constant 0 : i32
    %dma_start3A_50 = tpu.memref_slice %arg2[%dma_start3A_48, %dma_start3A_49] : memref<10000x128xf32, #tpu.memory_space<hbm>> -> memref<10000x128xf32, #tpu.memory_space<hbm>>
    tpu.enqueue_indirect_dma source(%dma_start3A_50 : memref<10000x128xf32, #tpu.memory_space<hbm>>) target(%arg20 : memref<120x128xf32, #tpu.memory_space<vmem>>) offsets(%arg8 : memref<120xi32, #tpu.memory_space<vmem>>) semaphore(%arg30 : memref<!tpu.dma_semaphore, #tpu.memory_space<semaphore_mem>>)
    %barrier3A = arith.constant 0 : index
    tpu.barrier barrier_id(%barrier3A)
    %scan3A = arith.constant 0 : i32
    %scan3A_51 = arith.constant 0 : i32
    %scan3A_52 = arith.constant 14 : i32
    %scan3A_53 = arith.addi %scan3A_51, %scan3A_52 : i32
    %scan3A_54 = arith.constant 1 : i32
    scf.for %scan3A_64 = %scan3A_51 to %scan3A_53 step %scan3A_54  : i32 {
      %mul3A_65 = arith.constant 6 : i32
      %mul3A_66 = arith.muli %mul3A_65, %scan3A_64 : i32
      %add3A_67 = arith.constant 0 : i32
      %add3A_68 = arith.addi %mul3A_66, %add3A_67 : i32
      %dma_wait3A_69 = arith.constant 0 : i32
      %dma_wait3A_70 = arith.constant 0 : i32
      %dma_wait3A_71 = tpu.memref_slice %arg2[%dma_wait3A_69, %dma_wait3A_70] : memref<10000x128xf32, #tpu.memory_space<hbm>> -> memref<10000x128xf32, #tpu.memory_space<hbm>>
      tpu.wait_indirect_dma semaphore(%arg29 : memref<!tpu.dma_semaphore, #tpu.memory_space<semaphore_mem>>) src(%dma_wait3A_71 : memref<10000x128xf32, #tpu.memory_space<hbm>>) dst(%arg19 : memref<120x128xf32, #tpu.memory_space<vmem>>)
      %dma_start3A_72 = arith.constant 0 : i32
      %dma_start3A_73 = arith.constant 0 : i32
      %dma_start3A_74 = tpu.memref_slice %arg22[%dma_start3A_72, %dma_start3A_73] : memref<10112x128xf32, #tpu.memory_space<vmem_shared>> -> memref<10112x128xf32, #tpu.memory_space<vmem_shared>>
      tpu.enqueue_indirect_dma source(%arg19 : memref<120x128xf32, #tpu.memory_space<vmem>>) target(%dma_start3A_74 : memref<10112x128xf32, #tpu.memory_space<vmem_shared>>) offsets(%arg13 : memref<120xi32, #tpu.memory_space<vmem>>) semaphore(%arg32 : memref<!tpu.dma_semaphore, #tpu.memory_space<semaphore_mem>>) {add = true}
      %gt3A = arith.constant 0 : i32
      %gt3A_75 = arith.cmpi sgt, %add3A_68, %gt3A : i32
      %convert_element_type3A = arith.extui %gt3A_75 : i1 to i32
      %cond3A = arith.constant 0 : i32
      %cond3A_76 = arith.cmpi ne, %convert_element_type3A, %cond3A : i32
      scf.if %cond3A_76 {
        %dma_wait3A_235 = arith.constant 0 : i32
        %dma_wait3A_236 = arith.constant 0 : i32
        %dma_wait3A_237 = tpu.memref_slice %arg22[%dma_wait3A_235, %dma_wait3A_236] : memref<10112x128xf32, #tpu.memory_space<vmem_shared>> -> memref<10112x128xf32, #tpu.memory_space<vmem_shared>>
        tpu.wait_indirect_dma semaphore(%arg34 : memref<!tpu.dma_semaphore, #tpu.memory_space<semaphore_mem>>) src(%arg21 : memref<120x128xf32, #tpu.memory_space<vmem>>) dst(%dma_wait3A_237 : memref<10112x128xf32, #tpu.memory_space<vmem_shared>>)
      } else {
      }
      %add3A_77 = arith.constant 4 : i32
      %add3A_78 = arith.addi %add3A_68, %add3A_77 : i32
      %lt3A = arith.constant 84 : i32
      %lt3A_79 = arith.cmpi slt, %add3A_78, %lt3A : i32
      %convert_element_type3A_80 = arith.extui %lt3A_79 : i1 to i32
      %cond3A_81 = arith.constant 0 : i32
      %cond3A_82 = arith.cmpi ne, %convert_element_type3A_80, %cond3A_81 : i32
      scf.if %cond3A_82 {
        %add3A_235 = arith.constant 4 : i32
        %add3A_236 = arith.addi %add3A_68, %add3A_235 : i32
        %mul3A_237 = arith.constant 120 : i32
        %mul3A_238 = arith.muli %add3A_236, %mul3A_237 : i32
        %add3A_239 = arith.addi %mul3A_2, %mul3A_238 : i32
        %dma_start3A_240 = tpu.memref_slice %arg3[%add3A_239] : memref<322560xi32, #tpu.memory_space<hbm>> -> memref<120xi32, #tpu.memory_space<hbm>>
        %dma_start3A_241 = tpu.memref_slice %arg3[%add3A_239] : memref<322560xi32, #tpu.memory_space<hbm>> -> memref<120xi32, #tpu.memory_space<hbm>>
        tpu.enqueue_dma source(%dma_start3A_241 : memref<120xi32, #tpu.memory_space<hbm>>) target(%arg11 : memref<120xi32, #tpu.memory_space<vmem>>) target_semaphore(%arg27 : memref<!tpu.dma_semaphore, #tpu.memory_space<semaphore_mem>>)
        %dma_start3A_242 = tpu.memref_slice %arg4[%add3A_239] : memref<322560xi32, #tpu.memory_space<hbm>> -> memref<120xi32, #tpu.memory_space<hbm>>
        %dma_start3A_243 = tpu.memref_slice %arg4[%add3A_239] : memref<322560xi32, #tpu.memory_space<hbm>> -> memref<120xi32, #tpu.memory_space<hbm>>
        tpu.enqueue_dma source(%dma_start3A_243 : memref<120xi32, #tpu.memory_space<hbm>>) target(%arg17 : memref<120xi32, #tpu.memory_space<vmem>>) target_semaphore(%arg27 : memref<!tpu.dma_semaphore, #tpu.memory_space<semaphore_mem>>)
      } else {
      }
      %add3A_83 = arith.constant 2 : i32
      %add3A_84 = arith.addi %add3A_68, %add3A_83 : i32
      %lt3A_85 = arith.constant 84 : i32
      %lt3A_86 = arith.cmpi slt, %add3A_84, %lt3A_85 : i32
      %convert_element_type3A_87 = arith.extui %lt3A_86 : i1 to i32
      %cond3A_88 = arith.constant 0 : i32
      %cond3A_89 = arith.cmpi ne, %convert_element_type3A_87, %cond3A_88 : i32
      scf.if %cond3A_89 {
        %dma_wait3A_235 = arith.constant 0 : i32
        %dma_wait3A_236 = tpu.memref_slice %arg3[%dma_wait3A_235] : memref<322560xi32, #tpu.memory_space<hbm>> -> memref<120xi32, #tpu.memory_space<hbm>>
        %dma_wait3A_237 = arith.constant 0 : i32
        %dma_wait3A_238 = tpu.memref_slice %arg3[%dma_wait3A_237] : memref<322560xi32, #tpu.memory_space<hbm>> -> memref<120xi32, #tpu.memory_space<hbm>>
        tpu.wait_dma2 semaphore(%arg25 : memref<!tpu.dma_semaphore, #tpu.memory_space<semaphore_mem>>) src(%dma_wait3A_238 : memref<120xi32, #tpu.memory_space<hbm>>) dst(%arg9 : memref<120xi32, #tpu.memory_space<vmem>>)
        %dma_wait3A_239 = arith.constant 0 : i32
        %dma_wait3A_240 = tpu.memref_slice %arg4[%dma_wait3A_239] : memref<322560xi32, #tpu.memory_space<hbm>> -> memref<120xi32, #tpu.memory_space<hbm>>
        %dma_wait3A_241 = arith.constant 0 : i32
        %dma_wait3A_242 = tpu.memref_slice %arg4[%dma_wait3A_241] : memref<322560xi32, #tpu.memory_space<hbm>> -> memref<120xi32, #tpu.memory_space<hbm>>
        tpu.wait_dma2 semaphore(%arg25 : memref<!tpu.dma_semaphore, #tpu.memory_space<semaphore_mem>>) src(%dma_wait3A_242 : memref<120xi32, #tpu.memory_space<hbm>>) dst(%arg15 : memref<120xi32, #tpu.memory_space<vmem>>)
        %dma_start3A_243 = arith.constant 0 : i32
        %dma_start3A_244 = arith.constant 0 : i32
        %dma_start3A_245 = tpu.memref_slice %arg2[%dma_start3A_243, %dma_start3A_244] : memref<10000x128xf32, #tpu.memory_space<hbm>> -> memref<10000x128xf32, #tpu.memory_space<hbm>>
        tpu.enqueue_indirect_dma source(%dma_start3A_245 : memref<10000x128xf32, #tpu.memory_space<hbm>>) target(%arg21 : memref<120x128xf32, #tpu.memory_space<vmem>>) offsets(%arg9 : memref<120xi32, #tpu.memory_space<vmem>>) semaphore(%arg31 : memref<!tpu.dma_semaphore, #tpu.memory_space<semaphore_mem>>)
      } else {
      }
      %mul3A_90 = arith.constant 6 : i32
      %mul3A_91 = arith.muli %mul3A_90, %scan3A_64 : i32
      %add3A_92 = arith.constant 1 : i32
      %add3A_93 = arith.addi %mul3A_91, %add3A_92 : i32
      %dma_wait3A_94 = arith.constant 0 : i32
      %dma_wait3A_95 = arith.constant 0 : i32
      %dma_wait3A_96 = tpu.memref_slice %arg2[%dma_wait3A_94, %dma_wait3A_95] : memref<10000x128xf32, #tpu.memory_space<hbm>> -> memref<10000x128xf32, #tpu.memory_space<hbm>>
      tpu.wait_indirect_dma semaphore(%arg30 : memref<!tpu.dma_semaphore, #tpu.memory_space<semaphore_mem>>) src(%dma_wait3A_96 : memref<10000x128xf32, #tpu.memory_space<hbm>>) dst(%arg20 : memref<120x128xf32, #tpu.memory_space<vmem>>)
      %dma_start3A_97 = arith.constant 0 : i32
      %dma_start3A_98 = arith.constant 0 : i32
      %dma_start3A_99 = tpu.memref_slice %arg22[%dma_start3A_97, %dma_start3A_98] : memref<10112x128xf32, #tpu.memory_space<vmem_shared>> -> memref<10112x128xf32, #tpu.memory_space<vmem_shared>>
      tpu.enqueue_indirect_dma source(%arg20 : memref<120x128xf32, #tpu.memory_space<vmem>>) target(%dma_start3A_99 : memref<10112x128xf32, #tpu.memory_space<vmem_shared>>) offsets(%arg14 : memref<120xi32, #tpu.memory_space<vmem>>) semaphore(%arg33 : memref<!tpu.dma_semaphore, #tpu.memory_space<semaphore_mem>>) {add = true}
      %gt3A_100 = arith.constant 0 : i32
      %gt3A_101 = arith.cmpi sgt, %add3A_93, %gt3A_100 : i32
      %convert_element_type3A_102 = arith.extui %gt3A_101 : i1 to i32
      %cond3A_103 = arith.constant 0 : i32
      %cond3A_104 = arith.cmpi ne, %convert_element_type3A_102, %cond3A_103 : i32
      scf.if %cond3A_104 {
        %dma_wait3A_235 = arith.constant 0 : i32
        %dma_wait3A_236 = arith.constant 0 : i32
        %dma_wait3A_237 = tpu.memref_slice %arg22[%dma_wait3A_235, %dma_wait3A_236] : memref<10112x128xf32, #tpu.memory_space<vmem_shared>> -> memref<10112x128xf32, #tpu.memory_space<vmem_shared>>
        tpu.wait_indirect_dma semaphore(%arg32 : memref<!tpu.dma_semaphore, #tpu.memory_space<semaphore_mem>>) src(%arg19 : memref<120x128xf32, #tpu.memory_space<vmem>>) dst(%dma_wait3A_237 : memref<10112x128xf32, #tpu.memory_space<vmem_shared>>)
      } else {
      }
      %add3A_105 = arith.constant 4 : i32
      %add3A_106 = arith.addi %add3A_93, %add3A_105 : i32
      %lt3A_107 = arith.constant 84 : i32
      %lt3A_108 = arith.cmpi slt, %add3A_106, %lt3A_107 : i32
      %convert_element_type3A_109 = arith.extui %lt3A_108 : i1 to i32
      %cond3A_110 = arith.constant 0 : i32
      %cond3A_111 = arith.cmpi ne, %convert_element_type3A_109, %cond3A_110 : i32
      scf.if %cond3A_111 {
        %add3A_235 = arith.constant 4 : i32
        %add3A_236 = arith.addi %add3A_93, %add3A_235 : i32
        %mul3A_237 = arith.constant 120 : i32
        %mul3A_238 = arith.muli %add3A_236, %mul3A_237 : i32
        %add3A_239 = arith.addi %mul3A_2, %mul3A_238 : i32
        %dma_start3A_240 = tpu.memref_slice %arg3[%add3A_239] : memref<322560xi32, #tpu.memory_space<hbm>> -> memref<120xi32, #tpu.memory_space<hbm>>
        %dma_start3A_241 = tpu.memref_slice %arg3[%add3A_239] : memref<322560xi32, #tpu.memory_space<hbm>> -> memref<120xi32, #tpu.memory_space<hbm>>
        tpu.enqueue_dma source(%dma_start3A_241 : memref<120xi32, #tpu.memory_space<hbm>>) target(%arg12 : memref<120xi32, #tpu.memory_space<vmem>>) target_semaphore(%arg28 : memref<!tpu.dma_semaphore, #tpu.memory_space<semaphore_mem>>)
        %dma_start3A_242 = tpu.memref_slice %arg4[%add3A_239] : memref<322560xi32, #tpu.memory_space<hbm>> -> memref<120xi32, #tpu.memory_space<hbm>>
        %dma_start3A_243 = tpu.memref_slice %arg4[%add3A_239] : memref<322560xi32, #tpu.memory_space<hbm>> -> memref<120xi32, #tpu.memory_space<hbm>>
        tpu.enqueue_dma source(%dma_start3A_243 : memref<120xi32, #tpu.memory_space<hbm>>) target(%arg18 : memref<120xi32, #tpu.memory_space<vmem>>) target_semaphore(%arg28 : memref<!tpu.dma_semaphore, #tpu.memory_space<semaphore_mem>>)
      } else {
      }
      %add3A_112 = arith.constant 2 : i32
      %add3A_113 = arith.addi %add3A_93, %add3A_112 : i32
      %lt3A_114 = arith.constant 84 : i32
      %lt3A_115 = arith.cmpi slt, %add3A_113, %lt3A_114 : i32
      %convert_element_type3A_116 = arith.extui %lt3A_115 : i1 to i32
      %cond3A_117 = arith.constant 0 : i32
      %cond3A_118 = arith.cmpi ne, %convert_element_type3A_116, %cond3A_117 : i32
      scf.if %cond3A_118 {
        %dma_wait3A_235 = arith.constant 0 : i32
        %dma_wait3A_236 = tpu.memref_slice %arg3[%dma_wait3A_235] : memref<322560xi32, #tpu.memory_space<hbm>> -> memref<120xi32, #tpu.memory_space<hbm>>
        %dma_wait3A_237 = arith.constant 0 : i32
        %dma_wait3A_238 = tpu.memref_slice %arg3[%dma_wait3A_237] : memref<322560xi32, #tpu.memory_space<hbm>> -> memref<120xi32, #tpu.memory_space<hbm>>
        tpu.wait_dma2 semaphore(%arg26 : memref<!tpu.dma_semaphore, #tpu.memory_space<semaphore_mem>>) src(%dma_wait3A_238 : memref<120xi32, #tpu.memory_space<hbm>>) dst(%arg10 : memref<120xi32, #tpu.memory_space<vmem>>)
        %dma_wait3A_239 = arith.constant 0 : i32
        %dma_wait3A_240 = tpu.memref_slice %arg4[%dma_wait3A_239] : memref<322560xi32, #tpu.memory_space<hbm>> -> memref<120xi32, #tpu.memory_space<hbm>>
        %dma_wait3A_241 = arith.constant 0 : i32
        %dma_wait3A_242 = tpu.memref_slice %arg4[%dma_wait3A_241] : memref<322560xi32, #tpu.memory_space<hbm>> -> memref<120xi32, #tpu.memory_space<hbm>>
        tpu.wait_dma2 semaphore(%arg26 : memref<!tpu.dma_semaphore, #tpu.memory_space<semaphore_mem>>) src(%dma_wait3A_242 : memref<120xi32, #tpu.memory_space<hbm>>) dst(%arg16 : memref<120xi32, #tpu.memory_space<vmem>>)
        %dma_start3A_243 = arith.constant 0 : i32
        %dma_start3A_244 = arith.constant 0 : i32
        %dma_start3A_245 = tpu.memref_slice %arg2[%dma_start3A_243, %dma_start3A_244] : memref<10000x128xf32, #tpu.memory_space<hbm>> -> memref<10000x128xf32, #tpu.memory_space<hbm>>
        tpu.enqueue_indirect_dma source(%dma_start3A_245 : memref<10000x128xf32, #tpu.memory_space<hbm>>) target(%arg19 : memref<120x128xf32, #tpu.memory_space<vmem>>) offsets(%arg10 : memref<120xi32, #tpu.memory_space<vmem>>) semaphore(%arg29 : memref<!tpu.dma_semaphore, #tpu.memory_space<semaphore_mem>>)
      } else {
      }
      %mul3A_119 = arith.constant 6 : i32
      %mul3A_120 = arith.muli %mul3A_119, %scan3A_64 : i32
      %add3A_121 = arith.constant 2 : i32
      %add3A_122 = arith.addi %mul3A_120, %add3A_121 : i32
      %dma_wait3A_123 = arith.constant 0 : i32
      %dma_wait3A_124 = arith.constant 0 : i32
      %dma_wait3A_125 = tpu.memref_slice %arg2[%dma_wait3A_123, %dma_wait3A_124] : memref<10000x128xf32, #tpu.memory_space<hbm>> -> memref<10000x128xf32, #tpu.memory_space<hbm>>
      tpu.wait_indirect_dma semaphore(%arg31 : memref<!tpu.dma_semaphore, #tpu.memory_space<semaphore_mem>>) src(%dma_wait3A_125 : memref<10000x128xf32, #tpu.memory_space<hbm>>) dst(%arg21 : memref<120x128xf32, #tpu.memory_space<vmem>>)
      %dma_start3A_126 = arith.constant 0 : i32
      %dma_start3A_127 = arith.constant 0 : i32
      %dma_start3A_128 = tpu.memref_slice %arg22[%dma_start3A_126, %dma_start3A_127] : memref<10112x128xf32, #tpu.memory_space<vmem_shared>> -> memref<10112x128xf32, #tpu.memory_space<vmem_shared>>
      tpu.enqueue_indirect_dma source(%arg21 : memref<120x128xf32, #tpu.memory_space<vmem>>) target(%dma_start3A_128 : memref<10112x128xf32, #tpu.memory_space<vmem_shared>>) offsets(%arg15 : memref<120xi32, #tpu.memory_space<vmem>>) semaphore(%arg34 : memref<!tpu.dma_semaphore, #tpu.memory_space<semaphore_mem>>) {add = true}
      %gt3A_129 = arith.constant 0 : i32
      %gt3A_130 = arith.cmpi sgt, %add3A_122, %gt3A_129 : i32
      %convert_element_type3A_131 = arith.extui %gt3A_130 : i1 to i32
      %cond3A_132 = arith.constant 0 : i32
      %cond3A_133 = arith.cmpi ne, %convert_element_type3A_131, %cond3A_132 : i32
      scf.if %cond3A_133 {
        %dma_wait3A_235 = arith.constant 0 : i32
        %dma_wait3A_236 = arith.constant 0 : i32
        %dma_wait3A_237 = tpu.memref_slice %arg22[%dma_wait3A_235, %dma_wait3A_236] : memref<10112x128xf32, #tpu.memory_space<vmem_shared>> -> memref<10112x128xf32, #tpu.memory_space<vmem_shared>>
        tpu.wait_indirect_dma semaphore(%arg33 : memref<!tpu.dma_semaphore, #tpu.memory_space<semaphore_mem>>) src(%arg20 : memref<120x128xf32, #tpu.memory_space<vmem>>) dst(%dma_wait3A_237 : memref<10112x128xf32, #tpu.memory_space<vmem_shared>>)
      } else {
      }
      %add3A_134 = arith.constant 4 : i32
      %add3A_135 = arith.addi %add3A_122, %add3A_134 : i32
      %lt3A_136 = arith.constant 84 : i32
      %lt3A_137 = arith.cmpi slt, %add3A_135, %lt3A_136 : i32
      %convert_element_type3A_138 = arith.extui %lt3A_137 : i1 to i32
      %cond3A_139 = arith.constant 0 : i32
      %cond3A_140 = arith.cmpi ne, %convert_element_type3A_138, %cond3A_139 : i32
      scf.if %cond3A_140 {
        %add3A_235 = arith.constant 4 : i32
        %add3A_236 = arith.addi %add3A_122, %add3A_235 : i32
        %mul3A_237 = arith.constant 120 : i32
        %mul3A_238 = arith.muli %add3A_236, %mul3A_237 : i32
        %add3A_239 = arith.addi %mul3A_2, %mul3A_238 : i32
        %dma_start3A_240 = tpu.memref_slice %arg3[%add3A_239] : memref<322560xi32, #tpu.memory_space<hbm>> -> memref<120xi32, #tpu.memory_space<hbm>>
        %dma_start3A_241 = tpu.memref_slice %arg3[%add3A_239] : memref<322560xi32, #tpu.memory_space<hbm>> -> memref<120xi32, #tpu.memory_space<hbm>>
        tpu.enqueue_dma source(%dma_start3A_241 : memref<120xi32, #tpu.memory_space<hbm>>) target(%arg7 : memref<120xi32, #tpu.memory_space<vmem>>) target_semaphore(%arg23 : memref<!tpu.dma_semaphore, #tpu.memory_space<semaphore_mem>>)
        %dma_start3A_242 = tpu.memref_slice %arg4[%add3A_239] : memref<322560xi32, #tpu.memory_space<hbm>> -> memref<120xi32, #tpu.memory_space<hbm>>
        %dma_start3A_243 = tpu.memref_slice %arg4[%add3A_239] : memref<322560xi32, #tpu.memory_space<hbm>> -> memref<120xi32, #tpu.memory_space<hbm>>
        tpu.enqueue_dma source(%dma_start3A_243 : memref<120xi32, #tpu.memory_space<hbm>>) target(%arg13 : memref<120xi32, #tpu.memory_space<vmem>>) target_semaphore(%arg23 : memref<!tpu.dma_semaphore, #tpu.memory_space<semaphore_mem>>)
      } else {
      }
      %add3A_141 = arith.constant 2 : i32
      %add3A_142 = arith.addi %add3A_122, %add3A_141 : i32
      %lt3A_143 = arith.constant 84 : i32
      %lt3A_144 = arith.cmpi slt, %add3A_142, %lt3A_143 : i32
      %convert_element_type3A_145 = arith.extui %lt3A_144 : i1 to i32
      %cond3A_146 = arith.constant 0 : i32
      %cond3A_147 = arith.cmpi ne, %convert_element_type3A_145, %cond3A_146 : i32
      scf.if %cond3A_147 {
        %dma_wait3A_235 = arith.constant 0 : i32
        %dma_wait3A_236 = tpu.memref_slice %arg3[%dma_wait3A_235] : memref<322560xi32, #tpu.memory_space<hbm>> -> memref<120xi32, #tpu.memory_space<hbm>>
        %dma_wait3A_237 = arith.constant 0 : i32
        %dma_wait3A_238 = tpu.memref_slice %arg3[%dma_wait3A_237] : memref<322560xi32, #tpu.memory_space<hbm>> -> memref<120xi32, #tpu.memory_space<hbm>>
        tpu.wait_dma2 semaphore(%arg27 : memref<!tpu.dma_semaphore, #tpu.memory_space<semaphore_mem>>) src(%dma_wait3A_238 : memref<120xi32, #tpu.memory_space<hbm>>) dst(%arg11 : memref<120xi32, #tpu.memory_space<vmem>>)
        %dma_wait3A_239 = arith.constant 0 : i32
        %dma_wait3A_240 = tpu.memref_slice %arg4[%dma_wait3A_239] : memref<322560xi32, #tpu.memory_space<hbm>> -> memref<120xi32, #tpu.memory_space<hbm>>
        %dma_wait3A_241 = arith.constant 0 : i32
        %dma_wait3A_242 = tpu.memref_slice %arg4[%dma_wait3A_241] : memref<322560xi32, #tpu.memory_space<hbm>> -> memref<120xi32, #tpu.memory_space<hbm>>
        tpu.wait_dma2 semaphore(%arg27 : memref<!tpu.dma_semaphore, #tpu.memory_space<semaphore_mem>>) src(%dma_wait3A_242 : memref<120xi32, #tpu.memory_space<hbm>>) dst(%arg17 : memref<120xi32, #tpu.memory_space<vmem>>)
        %dma_start3A_243 = arith.constant 0 : i32
        %dma_start3A_244 = arith.constant 0 : i32
        %dma_start3A_245 = tpu.memref_slice %arg2[%dma_start3A_243, %dma_start3A_244] : memref<10000x128xf32, #tpu.memory_space<hbm>> -> memref<10000x128xf32, #tpu.memory_space<hbm>>
        tpu.enqueue_indirect_dma source(%dma_start3A_245 : memref<10000x128xf32, #tpu.memory_space<hbm>>) target(%arg20 : memref<120x128xf32, #tpu.memory_space<vmem>>) offsets(%arg11 : memref<120xi32, #tpu.memory_space<vmem>>) semaphore(%arg30 : memref<!tpu.dma_semaphore, #tpu.memory_space<semaphore_mem>>)
      } else {
      }
      %mul3A_148 = arith.constant 6 : i32
      %mul3A_149 = arith.muli %mul3A_148, %scan3A_64 : i32
      %add3A_150 = arith.constant 3 : i32
      %add3A_151 = arith.addi %mul3A_149, %add3A_150 : i32
      %dma_wait3A_152 = arith.constant 0 : i32
      %dma_wait3A_153 = arith.constant 0 : i32
      %dma_wait3A_154 = tpu.memref_slice %arg2[%dma_wait3A_152, %dma_wait3A_153] : memref<10000x128xf32, #tpu.memory_space<hbm>> -> memref<10000x128xf32, #tpu.memory_space<hbm>>
      tpu.wait_indirect_dma semaphore(%arg29 : memref<!tpu.dma_semaphore, #tpu.memory_space<semaphore_mem>>) src(%dma_wait3A_154 : memref<10000x128xf32, #tpu.memory_space<hbm>>) dst(%arg19 : memref<120x128xf32, #tpu.memory_space<vmem>>)
      %dma_start3A_155 = arith.constant 0 : i32
      %dma_start3A_156 = arith.constant 0 : i32
      %dma_start3A_157 = tpu.memref_slice %arg22[%dma_start3A_155, %dma_start3A_156] : memref<10112x128xf32, #tpu.memory_space<vmem_shared>> -> memref<10112x128xf32, #tpu.memory_space<vmem_shared>>
      tpu.enqueue_indirect_dma source(%arg19 : memref<120x128xf32, #tpu.memory_space<vmem>>) target(%dma_start3A_157 : memref<10112x128xf32, #tpu.memory_space<vmem_shared>>) offsets(%arg16 : memref<120xi32, #tpu.memory_space<vmem>>) semaphore(%arg32 : memref<!tpu.dma_semaphore, #tpu.memory_space<semaphore_mem>>) {add = true}
      %gt3A_158 = arith.constant 0 : i32
      %gt3A_159 = arith.cmpi sgt, %add3A_151, %gt3A_158 : i32
      %convert_element_type3A_160 = arith.extui %gt3A_159 : i1 to i32
      %cond3A_161 = arith.constant 0 : i32
      %cond3A_162 = arith.cmpi ne, %convert_element_type3A_160, %cond3A_161 : i32
      scf.if %cond3A_162 {
        %dma_wait3A_235 = arith.constant 0 : i32
        %dma_wait3A_236 = arith.constant 0 : i32
        %dma_wait3A_237 = tpu.memref_slice %arg22[%dma_wait3A_235, %dma_wait3A_236] : memref<10112x128xf32, #tpu.memory_space<vmem_shared>> -> memref<10112x128xf32, #tpu.memory_space<vmem_shared>>
        tpu.wait_indirect_dma semaphore(%arg34 : memref<!tpu.dma_semaphore, #tpu.memory_space<semaphore_mem>>) src(%arg21 : memref<120x128xf32, #tpu.memory_space<vmem>>) dst(%dma_wait3A_237 : memref<10112x128xf32, #tpu.memory_space<vmem_shared>>)
      } else {
      }
      %add3A_163 = arith.constant 4 : i32
      %add3A_164 = arith.addi %add3A_151, %add3A_163 : i32
      %lt3A_165 = arith.constant 84 : i32
      %lt3A_166 = arith.cmpi slt, %add3A_164, %lt3A_165 : i32
      %convert_element_type3A_167 = arith.extui %lt3A_166 : i1 to i32
      %cond3A_168 = arith.constant 0 : i32
      %cond3A_169 = arith.cmpi ne, %convert_element_type3A_167, %cond3A_168 : i32
      scf.if %cond3A_169 {
        %add3A_235 = arith.constant 4 : i32
        %add3A_236 = arith.addi %add3A_151, %add3A_235 : i32
        %mul3A_237 = arith.constant 120 : i32
        %mul3A_238 = arith.muli %add3A_236, %mul3A_237 : i32
        %add3A_239 = arith.addi %mul3A_2, %mul3A_238 : i32
        %dma_start3A_240 = tpu.memref_slice %arg3[%add3A_239] : memref<322560xi32, #tpu.memory_space<hbm>> -> memref<120xi32, #tpu.memory_space<hbm>>
        %dma_start3A_241 = tpu.memref_slice %arg3[%add3A_239] : memref<322560xi32, #tpu.memory_space<hbm>> -> memref<120xi32, #tpu.memory_space<hbm>>
        tpu.enqueue_dma source(%dma_start3A_241 : memref<120xi32, #tpu.memory_space<hbm>>) target(%arg8 : memref<120xi32, #tpu.memory_space<vmem>>) target_semaphore(%arg24 : memref<!tpu.dma_semaphore, #tpu.memory_space<semaphore_mem>>)
        %dma_start3A_242 = tpu.memref_slice %arg4[%add3A_239] : memref<322560xi32, #tpu.memory_space<hbm>> -> memref<120xi32, #tpu.memory_space<hbm>>
        %dma_start3A_243 = tpu.memref_slice %arg4[%add3A_239] : memref<322560xi32, #tpu.memory_space<hbm>> -> memref<120xi32, #tpu.memory_space<hbm>>
        tpu.enqueue_dma source(%dma_start3A_243 : memref<120xi32, #tpu.memory_space<hbm>>) target(%arg14 : memref<120xi32, #tpu.memory_space<vmem>>) target_semaphore(%arg24 : memref<!tpu.dma_semaphore, #tpu.memory_space<semaphore_mem>>)
      } else {
      }
      %add3A_170 = arith.constant 2 : i32
      %add3A_171 = arith.addi %add3A_151, %add3A_170 : i32
      %lt3A_172 = arith.constant 84 : i32
      %lt3A_173 = arith.cmpi slt, %add3A_171, %lt3A_172 : i32
      %convert_element_type3A_174 = arith.extui %lt3A_173 : i1 to i32
      %cond3A_175 = arith.constant 0 : i32
      %cond3A_176 = arith.cmpi ne, %convert_element_type3A_174, %cond3A_175 : i32
      scf.if %cond3A_176 {
        %dma_wait3A_235 = arith.constant 0 : i32
        %dma_wait3A_236 = tpu.memref_slice %arg3[%dma_wait3A_235] : memref<322560xi32, #tpu.memory_space<hbm>> -> memref<120xi32, #tpu.memory_space<hbm>>
        %dma_wait3A_237 = arith.constant 0 : i32
        %dma_wait3A_238 = tpu.memref_slice %arg3[%dma_wait3A_237] : memref<322560xi32, #tpu.memory_space<hbm>> -> memref<120xi32, #tpu.memory_space<hbm>>
        tpu.wait_dma2 semaphore(%arg28 : memref<!tpu.dma_semaphore, #tpu.memory_space<semaphore_mem>>) src(%dma_wait3A_238 : memref<120xi32, #tpu.memory_space<hbm>>) dst(%arg12 : memref<120xi32, #tpu.memory_space<vmem>>)
        %dma_wait3A_239 = arith.constant 0 : i32
        %dma_wait3A_240 = tpu.memref_slice %arg4[%dma_wait3A_239] : memref<322560xi32, #tpu.memory_space<hbm>> -> memref<120xi32, #tpu.memory_space<hbm>>
        %dma_wait3A_241 = arith.constant 0 : i32
        %dma_wait3A_242 = tpu.memref_slice %arg4[%dma_wait3A_241] : memref<322560xi32, #tpu.memory_space<hbm>> -> memref<120xi32, #tpu.memory_space<hbm>>
        tpu.wait_dma2 semaphore(%arg28 : memref<!tpu.dma_semaphore, #tpu.memory_space<semaphore_mem>>) src(%dma_wait3A_242 : memref<120xi32, #tpu.memory_space<hbm>>) dst(%arg18 : memref<120xi32, #tpu.memory_space<vmem>>)
        %dma_start3A_243 = arith.constant 0 : i32
        %dma_start3A_244 = arith.constant 0 : i32
        %dma_start3A_245 = tpu.memref_slice %arg2[%dma_start3A_243, %dma_start3A_244] : memref<10000x128xf32, #tpu.memory_space<hbm>> -> memref<10000x128xf32, #tpu.memory_space<hbm>>
        tpu.enqueue_indirect_dma source(%dma_start3A_245 : memref<10000x128xf32, #tpu.memory_space<hbm>>) target(%arg21 : memref<120x128xf32, #tpu.memory_space<vmem>>) offsets(%arg12 : memref<120xi32, #tpu.memory_space<vmem>>) semaphore(%arg31 : memref<!tpu.dma_semaphore, #tpu.memory_space<semaphore_mem>>)
      } else {
      }
      %mul3A_177 = arith.constant 6 : i32
      %mul3A_178 = arith.muli %mul3A_177, %scan3A_64 : i32
      %add3A_179 = arith.constant 4 : i32
      %add3A_180 = arith.addi %mul3A_178, %add3A_179 : i32
      %dma_wait3A_181 = arith.constant 0 : i32
      %dma_wait3A_182 = arith.constant 0 : i32
      %dma_wait3A_183 = tpu.memref_slice %arg2[%dma_wait3A_181, %dma_wait3A_182] : memref<10000x128xf32, #tpu.memory_space<hbm>> -> memref<10000x128xf32, #tpu.memory_space<hbm>>
      tpu.wait_indirect_dma semaphore(%arg30 : memref<!tpu.dma_semaphore, #tpu.memory_space<semaphore_mem>>) src(%dma_wait3A_183 : memref<10000x128xf32, #tpu.memory_space<hbm>>) dst(%arg20 : memref<120x128xf32, #tpu.memory_space<vmem>>)
      %dma_start3A_184 = arith.constant 0 : i32
      %dma_start3A_185 = arith.constant 0 : i32
      %dma_start3A_186 = tpu.memref_slice %arg22[%dma_start3A_184, %dma_start3A_185] : memref<10112x128xf32, #tpu.memory_space<vmem_shared>> -> memref<10112x128xf32, #tpu.memory_space<vmem_shared>>
      tpu.enqueue_indirect_dma source(%arg20 : memref<120x128xf32, #tpu.memory_space<vmem>>) target(%dma_start3A_186 : memref<10112x128xf32, #tpu.memory_space<vmem_shared>>) offsets(%arg17 : memref<120xi32, #tpu.memory_space<vmem>>) semaphore(%arg33 : memref<!tpu.dma_semaphore, #tpu.memory_space<semaphore_mem>>) {add = true}
      %gt3A_187 = arith.constant 0 : i32
      %gt3A_188 = arith.cmpi sgt, %add3A_180, %gt3A_187 : i32
      %convert_element_type3A_189 = arith.extui %gt3A_188 : i1 to i32
      %cond3A_190 = arith.constant 0 : i32
      %cond3A_191 = arith.cmpi ne, %convert_element_type3A_189, %cond3A_190 : i32
      scf.if %cond3A_191 {
        %dma_wait3A_235 = arith.constant 0 : i32
        %dma_wait3A_236 = arith.constant 0 : i32
        %dma_wait3A_237 = tpu.memref_slice %arg22[%dma_wait3A_235, %dma_wait3A_236] : memref<10112x128xf32, #tpu.memory_space<vmem_shared>> -> memref<10112x128xf32, #tpu.memory_space<vmem_shared>>
        tpu.wait_indirect_dma semaphore(%arg32 : memref<!tpu.dma_semaphore, #tpu.memory_space<semaphore_mem>>) src(%arg19 : memref<120x128xf32, #tpu.memory_space<vmem>>) dst(%dma_wait3A_237 : memref<10112x128xf32, #tpu.memory_space<vmem_shared>>)
      } else {
      }
      %add3A_192 = arith.constant 4 : i32
      %add3A_193 = arith.addi %add3A_180, %add3A_192 : i32
      %lt3A_194 = arith.constant 84 : i32
      %lt3A_195 = arith.cmpi slt, %add3A_193, %lt3A_194 : i32
      %convert_element_type3A_196 = arith.extui %lt3A_195 : i1 to i32
      %cond3A_197 = arith.constant 0 : i32
      %cond3A_198 = arith.cmpi ne, %convert_element_type3A_196, %cond3A_197 : i32
      scf.if %cond3A_198 {
        %add3A_235 = arith.constant 4 : i32
        %add3A_236 = arith.addi %add3A_180, %add3A_235 : i32
        %mul3A_237 = arith.constant 120 : i32
        %mul3A_238 = arith.muli %add3A_236, %mul3A_237 : i32
        %add3A_239 = arith.addi %mul3A_2, %mul3A_238 : i32
        %dma_start3A_240 = tpu.memref_slice %arg3[%add3A_239] : memref<322560xi32, #tpu.memory_space<hbm>> -> memref<120xi32, #tpu.memory_space<hbm>>
        %dma_start3A_241 = tpu.memref_slice %arg3[%add3A_239] : memref<322560xi32, #tpu.memory_space<hbm>> -> memref<120xi32, #tpu.memory_space<hbm>>
        tpu.enqueue_dma source(%dma_start3A_241 : memref<120xi32, #tpu.memory_space<hbm>>) target(%arg9 : memref<120xi32, #tpu.memory_space<vmem>>) target_semaphore(%arg25 : memref<!tpu.dma_semaphore, #tpu.memory_space<semaphore_mem>>)
        %dma_start3A_242 = tpu.memref_slice %arg4[%add3A_239] : memref<322560xi32, #tpu.memory_space<hbm>> -> memref<120xi32, #tpu.memory_space<hbm>>
        %dma_start3A_243 = tpu.memref_slice %arg4[%add3A_239] : memref<322560xi32, #tpu.memory_space<hbm>> -> memref<120xi32, #tpu.memory_space<hbm>>
        tpu.enqueue_dma source(%dma_start3A_243 : memref<120xi32, #tpu.memory_space<hbm>>) target(%arg15 : memref<120xi32, #tpu.memory_space<vmem>>) target_semaphore(%arg25 : memref<!tpu.dma_semaphore, #tpu.memory_space<semaphore_mem>>)
      } else {
      }
      %add3A_199 = arith.constant 2 : i32
      %add3A_200 = arith.addi %add3A_180, %add3A_199 : i32
      %lt3A_201 = arith.constant 84 : i32
      %lt3A_202 = arith.cmpi slt, %add3A_200, %lt3A_201 : i32
      %convert_element_type3A_203 = arith.extui %lt3A_202 : i1 to i32
      %cond3A_204 = arith.constant 0 : i32
      %cond3A_205 = arith.cmpi ne, %convert_element_type3A_203, %cond3A_204 : i32
      scf.if %cond3A_205 {
        %dma_wait3A_235 = arith.constant 0 : i32
        %dma_wait3A_236 = tpu.memref_slice %arg3[%dma_wait3A_235] : memref<322560xi32, #tpu.memory_space<hbm>> -> memref<120xi32, #tpu.memory_space<hbm>>
        %dma_wait3A_237 = arith.constant 0 : i32
        %dma_wait3A_238 = tpu.memref_slice %arg3[%dma_wait3A_237] : memref<322560xi32, #tpu.memory_space<hbm>> -> memref<120xi32, #tpu.memory_space<hbm>>
        tpu.wait_dma2 semaphore(%arg23 : memref<!tpu.dma_semaphore, #tpu.memory_space<semaphore_mem>>) src(%dma_wait3A_238 : memref<120xi32, #tpu.memory_space<hbm>>) dst(%arg7 : memref<120xi32, #tpu.memory_space<vmem>>)
        %dma_wait3A_239 = arith.constant 0 : i32
        %dma_wait3A_240 = tpu.memref_slice %arg4[%dma_wait3A_239] : memref<322560xi32, #tpu.memory_space<hbm>> -> memref<120xi32, #tpu.memory_space<hbm>>
        %dma_wait3A_241 = arith.constant 0 : i32
        %dma_wait3A_242 = tpu.memref_slice %arg4[%dma_wait3A_241] : memref<322560xi32, #tpu.memory_space<hbm>> -> memref<120xi32, #tpu.memory_space<hbm>>
        tpu.wait_dma2 semaphore(%arg23 : memref<!tpu.dma_semaphore, #tpu.memory_space<semaphore_mem>>) src(%dma_wait3A_242 : memref<120xi32, #tpu.memory_space<hbm>>) dst(%arg13 : memref<120xi32, #tpu.memory_space<vmem>>)
        %dma_start3A_243 = arith.constant 0 : i32
        %dma_start3A_244 = arith.constant 0 : i32
        %dma_start3A_245 = tpu.memref_slice %arg2[%dma_start3A_243, %dma_start3A_244] : memref<10000x128xf32, #tpu.memory_space<hbm>> -> memref<10000x128xf32, #tpu.memory_space<hbm>>
        tpu.enqueue_indirect_dma source(%dma_start3A_245 : memref<10000x128xf32, #tpu.memory_space<hbm>>) target(%arg19 : memref<120x128xf32, #tpu.memory_space<vmem>>) offsets(%arg7 : memref<120xi32, #tpu.memory_space<vmem>>) semaphore(%arg29 : memref<!tpu.dma_semaphore, #tpu.memory_space<semaphore_mem>>)
      } else {
      }
      %mul3A_206 = arith.constant 6 : i32
      %mul3A_207 = arith.muli %mul3A_206, %scan3A_64 : i32
      %add3A_208 = arith.constant 5 : i32
      %add3A_209 = arith.addi %mul3A_207, %add3A_208 : i32
      %dma_wait3A_210 = arith.constant 0 : i32
      %dma_wait3A_211 = arith.constant 0 : i32
      %dma_wait3A_212 = tpu.memref_slice %arg2[%dma_wait3A_210, %dma_wait3A_211] : memref<10000x128xf32, #tpu.memory_space<hbm>> -> memref<10000x128xf32, #tpu.memory_space<hbm>>
      tpu.wait_indirect_dma semaphore(%arg31 : memref<!tpu.dma_semaphore, #tpu.memory_space<semaphore_mem>>) src(%dma_wait3A_212 : memref<10000x128xf32, #tpu.memory_space<hbm>>) dst(%arg21 : memref<120x128xf32, #tpu.memory_space<vmem>>)
      %dma_start3A_213 = arith.constant 0 : i32
      %dma_start3A_214 = arith.constant 0 : i32
      %dma_start3A_215 = tpu.memref_slice %arg22[%dma_start3A_213, %dma_start3A_214] : memref<10112x128xf32, #tpu.memory_space<vmem_shared>> -> memref<10112x128xf32, #tpu.memory_space<vmem_shared>>
      tpu.enqueue_indirect_dma source(%arg21 : memref<120x128xf32, #tpu.memory_space<vmem>>) target(%dma_start3A_215 : memref<10112x128xf32, #tpu.memory_space<vmem_shared>>) offsets(%arg18 : memref<120xi32, #tpu.memory_space<vmem>>) semaphore(%arg34 : memref<!tpu.dma_semaphore, #tpu.memory_space<semaphore_mem>>) {add = true}
      %gt3A_216 = arith.constant 0 : i32
      %gt3A_217 = arith.cmpi sgt, %add3A_209, %gt3A_216 : i32
      %convert_element_type3A_218 = arith.extui %gt3A_217 : i1 to i32
      %cond3A_219 = arith.constant 0 : i32
      %cond3A_220 = arith.cmpi ne, %convert_element_type3A_218, %cond3A_219 : i32
      scf.if %cond3A_220 {
        %dma_wait3A_235 = arith.constant 0 : i32
        %dma_wait3A_236 = arith.constant 0 : i32
        %dma_wait3A_237 = tpu.memref_slice %arg22[%dma_wait3A_235, %dma_wait3A_236] : memref<10112x128xf32, #tpu.memory_space<vmem_shared>> -> memref<10112x128xf32, #tpu.memory_space<vmem_shared>>
        tpu.wait_indirect_dma semaphore(%arg33 : memref<!tpu.dma_semaphore, #tpu.memory_space<semaphore_mem>>) src(%arg20 : memref<120x128xf32, #tpu.memory_space<vmem>>) dst(%dma_wait3A_237 : memref<10112x128xf32, #tpu.memory_space<vmem_shared>>)
      } else {
      }
      %add3A_221 = arith.constant 4 : i32
      %add3A_222 = arith.addi %add3A_209, %add3A_221 : i32
      %lt3A_223 = arith.constant 84 : i32
      %lt3A_224 = arith.cmpi slt, %add3A_222, %lt3A_223 : i32
      %convert_element_type3A_225 = arith.extui %lt3A_224 : i1 to i32
      %cond3A_226 = arith.constant 0 : i32
      %cond3A_227 = arith.cmpi ne, %convert_element_type3A_225, %cond3A_226 : i32
      scf.if %cond3A_227 {
        %add3A_235 = arith.constant 4 : i32
        %add3A_236 = arith.addi %add3A_209, %add3A_235 : i32
        %mul3A_237 = arith.constant 120 : i32
        %mul3A_238 = arith.muli %add3A_236, %mul3A_237 : i32
        %add3A_239 = arith.addi %mul3A_2, %mul3A_238 : i32
        %dma_start3A_240 = tpu.memref_slice %arg3[%add3A_239] : memref<322560xi32, #tpu.memory_space<hbm>> -> memref<120xi32, #tpu.memory_space<hbm>>
        %dma_start3A_241 = tpu.memref_slice %arg3[%add3A_239] : memref<322560xi32, #tpu.memory_space<hbm>> -> memref<120xi32, #tpu.memory_space<hbm>>
        tpu.enqueue_dma source(%dma_start3A_241 : memref<120xi32, #tpu.memory_space<hbm>>) target(%arg10 : memref<120xi32, #tpu.memory_space<vmem>>) target_semaphore(%arg26 : memref<!tpu.dma_semaphore, #tpu.memory_space<semaphore_mem>>)
        %dma_start3A_242 = tpu.memref_slice %arg4[%add3A_239] : memref<322560xi32, #tpu.memory_space<hbm>> -> memref<120xi32, #tpu.memory_space<hbm>>
        %dma_start3A_243 = tpu.memref_slice %arg4[%add3A_239] : memref<322560xi32, #tpu.memory_space<hbm>> -> memref<120xi32, #tpu.memory_space<hbm>>
        tpu.enqueue_dma source(%dma_start3A_243 : memref<120xi32, #tpu.memory_space<hbm>>) target(%arg16 : memref<120xi32, #tpu.memory_space<vmem>>) target_semaphore(%arg26 : memref<!tpu.dma_semaphore, #tpu.memory_space<semaphore_mem>>)
      } else {
      }
      %add3A_228 = arith.constant 2 : i32
      %add3A_229 = arith.addi %add3A_209, %add3A_228 : i32
      %lt3A_230 = arith.constant 84 : i32
      %lt3A_231 = arith.cmpi slt, %add3A_229, %lt3A_230 : i32
      %convert_element_type3A_232 = arith.extui %lt3A_231 : i1 to i32
      %cond3A_233 = arith.constant 0 : i32
      %cond3A_234 = arith.cmpi ne, %convert_element_type3A_232, %cond3A_233 : i32
      scf.if %cond3A_234 {
        %dma_wait3A_235 = arith.constant 0 : i32
        %dma_wait3A_236 = tpu.memref_slice %arg3[%dma_wait3A_235] : memref<322560xi32, #tpu.memory_space<hbm>> -> memref<120xi32, #tpu.memory_space<hbm>>
        %dma_wait3A_237 = arith.constant 0 : i32
        %dma_wait3A_238 = tpu.memref_slice %arg3[%dma_wait3A_237] : memref<322560xi32, #tpu.memory_space<hbm>> -> memref<120xi32, #tpu.memory_space<hbm>>
        tpu.wait_dma2 semaphore(%arg24 : memref<!tpu.dma_semaphore, #tpu.memory_space<semaphore_mem>>) src(%dma_wait3A_238 : memref<120xi32, #tpu.memory_space<hbm>>) dst(%arg8 : memref<120xi32, #tpu.memory_space<vmem>>)
        %dma_wait3A_239 = arith.constant 0 : i32
        %dma_wait3A_240 = tpu.memref_slice %arg4[%dma_wait3A_239] : memref<322560xi32, #tpu.memory_space<hbm>> -> memref<120xi32, #tpu.memory_space<hbm>>
        %dma_wait3A_241 = arith.constant 0 : i32
        %dma_wait3A_242 = tpu.memref_slice %arg4[%dma_wait3A_241] : memref<322560xi32, #tpu.memory_space<hbm>> -> memref<120xi32, #tpu.memory_space<hbm>>
        tpu.wait_dma2 semaphore(%arg24 : memref<!tpu.dma_semaphore, #tpu.memory_space<semaphore_mem>>) src(%dma_wait3A_242 : memref<120xi32, #tpu.memory_space<hbm>>) dst(%arg14 : memref<120xi32, #tpu.memory_space<vmem>>)
        %dma_start3A_243 = arith.constant 0 : i32
        %dma_start3A_244 = arith.constant 0 : i32
        %dma_start3A_245 = tpu.memref_slice %arg2[%dma_start3A_243, %dma_start3A_244] : memref<10000x128xf32, #tpu.memory_space<hbm>> -> memref<10000x128xf32, #tpu.memory_space<hbm>>
        tpu.enqueue_indirect_dma source(%dma_start3A_245 : memref<10000x128xf32, #tpu.memory_space<hbm>>) target(%arg20 : memref<120x128xf32, #tpu.memory_space<vmem>>) offsets(%arg8 : memref<120xi32, #tpu.memory_space<vmem>>) semaphore(%arg30 : memref<!tpu.dma_semaphore, #tpu.memory_space<semaphore_mem>>)
      } else {
      }
    }
    %scan3A_55 = arith.constant 14 : i32
    %dma_wait3A_56 = arith.constant 0 : i32
    %dma_wait3A_57 = arith.constant 0 : i32
    %dma_wait3A_58 = tpu.memref_slice %arg22[%dma_wait3A_56, %dma_wait3A_57] : memref<10112x128xf32, #tpu.memory_space<vmem_shared>> -> memref<10112x128xf32, #tpu.memory_space<vmem_shared>>
    tpu.wait_indirect_dma semaphore(%arg34 : memref<!tpu.dma_semaphore, #tpu.memory_space<semaphore_mem>>) src(%arg21 : memref<120x128xf32, #tpu.memory_space<vmem>>) dst(%dma_wait3A_58 : memref<10112x128xf32, #tpu.memory_space<vmem_shared>>)
    %barrier3A_59 = arith.constant 0 : index
    tpu.barrier barrier_id(%barrier3A_59)
    %mul3A_60 = arith.constant 632 : i32
    %mul3A_61 = arith.muli %arg1, %mul3A_60 : i32
    %mul3A_62 = arith.constant 632 : i32
    %mul3A_63 = arith.muli %arg1, %mul3A_62 : i32
    "tpu.region"() ({
      %run_scoped3A = tpu.sem_alloc : memref<!tpu.dma_semaphore, #tpu.memory_space<semaphore_mem>>
      %dma_start3A_64 = arith.constant 0 : i32
      %dma_start3A_65 = tpu.memref_slice %arg6[%arg0, %mul3A_63, %dma_start3A_64] : memref<2x10112x128xf32, #tpu.memory_space<hbm>> -> memref<1x632x128xf32, #tpu.memory_space<hbm>>
      %dma_start3A_66 = tpu.memref_squeeze %dma_start3A_65 : memref<1x632x128xf32, #tpu.memory_space<hbm>> -> memref<632x128xf32, #tpu.memory_space<hbm>>
      %dma_start3A_67 = arith.constant 0 : i32
      %dma_start3A_68 = tpu.memref_slice %arg22[%mul3A_61, %dma_start3A_67] : memref<10112x128xf32, #tpu.memory_space<vmem_shared>> -> memref<632x128xf32, #tpu.memory_space<vmem_shared>>
      tpu.enqueue_dma source(%dma_start3A_68 : memref<632x128xf32, #tpu.memory_space<vmem_shared>>) target(%dma_start3A_66 : memref<632x128xf32, #tpu.memory_space<hbm>>) target_semaphore(%run_scoped3A : memref<!tpu.dma_semaphore, #tpu.memory_space<semaphore_mem>>)
      %dma_wait3A_69 = arith.constant 0 : i32
      %dma_wait3A_70 = tpu.memref_slice %arg6[%arg0, %mul3A_63, %dma_wait3A_69] : memref<2x10112x128xf32, #tpu.memory_space<hbm>> -> memref<1x632x128xf32, #tpu.memory_space<hbm>>
      %dma_wait3A_71 = tpu.memref_squeeze %dma_wait3A_70 : memref<1x632x128xf32, #tpu.memory_space<hbm>> -> memref<632x128xf32, #tpu.memory_space<hbm>>
      %dma_wait3A_72 = arith.constant 0 : i32
      %dma_wait3A_73 = tpu.memref_slice %arg22[%mul3A_61, %dma_wait3A_72] : memref<10112x128xf32, #tpu.memory_space<vmem_shared>> -> memref<632x128xf32, #tpu.memory_space<vmem_shared>>
      tpu.wait_dma2 semaphore(%run_scoped3A : memref<!tpu.dma_semaphore, #tpu.memory_space<semaphore_mem>>) src(%dma_wait3A_73 : memref<632x128xf32, #tpu.memory_space<vmem_shared>>) dst(%dma_wait3A_71 : memref<632x128xf32, #tpu.memory_space<hbm>>)
      tpu.yield
    }) : () -> ()
    return
  }
}

module attributes {stable_mosaic.version = 14 : i64} {
  func.func @_xw1_kernel(%arg0: i32, %arg1: memref<1xf32, #tpu.memory_space<smem>>, %arg2: memref<2000x128xf32, #tpu.memory_space<vmem>>, %arg3: memref<128x128xf32, #tpu.memory_space<vmem>>, %arg4: memref<1x128xf32, #tpu.memory_space<vmem>>, %arg5: memref<2000x128xf32, #tpu.memory_space<vmem>>) attributes {dimension_semantics = [#tpu.dimension_semantics<arbitrary>], iteration_bounds = array<i64: 5>, scalar_prefetch = 0 : i64, scratch_operands = 0 : i64, tpu.core_type = #tpu.core_type<tc>, window_params = [{transform_indices = @transform_0, window_bounds = array<i64: 1>}, {transform_indices = @transform_1, window_bounds = array<i64: 2000, 128>}, {pipeline_mode = #tpu.pipeline_mode<synchronous>, transform_indices = @transform_2, window_bounds = array<i64: 128, 128>}, {pipeline_mode = #tpu.pipeline_mode<synchronous>, transform_indices = @transform_3, window_bounds = array<i64: 1, 128>}, {transform_indices = @transform_4, window_bounds = array<i64: 2000, 128>}]} {
    %get3A = arith.constant 0 : index
    %get3A_0 = arith.constant 0 : index
    %get3A_1 = vector.load %arg2[%get3A, %get3A_0] : memref<2000x128xf32, #tpu.memory_space<vmem>>, vector<2000x128xf32>
    %get3A_2 = arith.constant 0 : index
    %get3A_3 = memref.load %arg1[%get3A_2] : memref<1xf32, #tpu.memory_space<smem>>
    %add3A = arith.constant 1.000000e+00 : f32
    %add3A_4 = arith.addf %add3A, %get3A_3 : f32
    %mul3A = vector.broadcast %add3A_4 : f32 to vector<2000x128xf32>
    %mul3A_5 = arith.mulf %get3A_1, %mul3A : vector<2000x128xf32>
    %get3A_6 = arith.constant 0 : index
    %get3A_7 = arith.constant 0 : index
    %get3A_8 = vector.load %arg3[%get3A_6, %get3A_7] : memref<128x128xf32, #tpu.memory_space<vmem>>, vector<128x128xf32>
    %dot_general3A = arith.constant dense<0.000000e+00> : vector<2000x128xf32>
    %dot_general3A_9 = tpu.matmul %mul3A_5, %get3A_8, %dot_general3A {dimension_numbers = #tpu.dot_dimension_numbers<[1], [0], [0], [1], [0, 0, 1, 1], [], []>, transpose_lhs_hint = false} : vector<2000x128xf32>, vector<128x128xf32>, vector<2000x128xf32> -> vector<2000x128xf32>
    %get3A_10 = arith.constant 0 : index
    %get3A_11 = arith.constant 0 : index
    %get3A_12 = vector.load %arg4[%get3A_10, %get3A_11] : memref<1x128xf32, #tpu.memory_space<vmem>>, vector<1x128xf32>
    %add3A_13 = vector.broadcast %get3A_12 : vector<1x128xf32> to vector<2000x128xf32>
    %add3A_14 = arith.addf %dot_general3A_9, %add3A_13 : vector<2000x128xf32>
    %swap3A = arith.constant 0 : index
    %swap3A_15 = arith.constant 0 : index
    %swap3A_16 = vector.load %arg5[%swap3A, %swap3A_15] : memref<2000x128xf32, #tpu.memory_space<vmem>>, vector<2000x128xf32>
    tpu.vector_store %arg5[%swap3A, %swap3A_15], %add3A_14 {strides = array<i32>} : memref<2000x128xf32, #tpu.memory_space<vmem>>, vector<2000x128xf32>,
    return
  }
  func.func @transform_0(%arg0: i32) -> i32 {
    %c0_i32 = arith.constant 0 : i32
    %c0_i32_0 = arith.constant 0 : i32
    return %c0_i32 : i32
  }
  func.func @transform_1(%arg0: i32) -> (i32, i32) {
    %c0_i32 = arith.constant 0 : i32
    %c0_i32_0 = arith.constant 0 : i32
    return %arg0, %c0_i32 : i32, i32
  }
  func.func @transform_2(%arg0: i32) -> (i32, i32) {
    %c0_i32 = arith.constant 0 : i32
    %c0_i32_0 = arith.constant 0 : i32
    %c0_i32_1 = arith.constant 0 : i32
    return %c0_i32, %c0_i32_0 : i32, i32
  }
  func.func @transform_3(%arg0: i32) -> (i32, i32) {
    %c0_i32 = arith.constant 0 : i32
    %c0_i32_0 = arith.constant 0 : i32
    %c0_i32_1 = arith.constant 0 : i32
    return %c0_i32, %c0_i32_0 : i32, i32
  }
  func.func @transform_4(%arg0: i32) -> (i32, i32) {
    %c0_i32 = arith.constant 0 : i32
    %c0_i32_0 = arith.constant 0 : i32
    return %arg0, %c0_i32 : i32, i32
  }
}

module attributes {stable_mosaic.version = 14 : i64} {
  func.func @_mlp_kernel(%arg0: i32, %arg1: memref<2000x128xf32, #tpu.memory_space<vmem>>, %arg2: memref<2x2000x128xf32, #tpu.memory_space<vmem>>, %arg3: memref<128x128xf32, #tpu.memory_space<vmem>>, %arg4: memref<128x128xf32, #tpu.memory_space<vmem>>, %arg5: memref<1x128xf32, #tpu.memory_space<vmem>>, %arg6: memref<2000x128xf32, #tpu.memory_space<vmem>>) attributes {dimension_semantics = [#tpu.dimension_semantics<arbitrary>], iteration_bounds = array<i64: 5>, scalar_prefetch = 0 : i64, scratch_operands = 0 : i64, tpu.core_type = #tpu.core_type<tc>, window_params = [{transform_indices = @transform_0, window_bounds = array<i64: 2000, 128>}, {transform_indices = @transform_1, window_bounds = array<i64: 2, 2000, 128>}, {pipeline_mode = #tpu.pipeline_mode<synchronous>, transform_indices = @transform_2, window_bounds = array<i64: 128, 128>}, {pipeline_mode = #tpu.pipeline_mode<synchronous>, transform_indices = @transform_3, window_bounds = array<i64: 128, 128>}, {pipeline_mode = #tpu.pipeline_mode<synchronous>, transform_indices = @transform_4, window_bounds = array<i64: 1, 128>}, {transform_indices = @transform_5, window_bounds = array<i64: 2000, 128>}]} {
    %get3A = arith.constant 0 : index
    %get3A_0 = arith.constant 0 : index
    %get3A_1 = arith.constant 0 : index
    %get3A_2 = vector.load %arg2[%get3A, %get3A_0, %get3A_1] : memref<2x2000x128xf32, #tpu.memory_space<vmem>>, vector<1x2000x128xf32>
    %get3A_3 = vector.shape_cast %get3A_2 : vector<1x2000x128xf32> to vector<2000x128xf32>
    %get3A_4 = arith.constant 1 : index
    %get3A_5 = arith.constant 0 : index
    %get3A_6 = arith.constant 0 : index
    %get3A_7 = vector.load %arg2[%get3A_4, %get3A_5, %get3A_6] : memref<2x2000x128xf32, #tpu.memory_space<vmem>>, vector<1x2000x128xf32>
    %get3A_8 = vector.shape_cast %get3A_7 : vector<1x2000x128xf32> to vector<2000x128xf32>
    %add3A = arith.addf %get3A_3, %get3A_8 : vector<2000x128xf32>
    %get3A_9 = arith.constant 0 : index
    %get3A_10 = arith.constant 0 : index
    %get3A_11 = vector.load %arg1[%get3A_9, %get3A_10] : memref<2000x128xf32, #tpu.memory_space<vmem>>, vector<2000x128xf32>
    %get3A_12 = arith.constant 0 : index
    %get3A_13 = arith.constant 0 : index
    %get3A_14 = vector.load %arg3[%get3A_12, %get3A_13] : memref<128x128xf32, #tpu.memory_space<vmem>>, vector<128x128xf32>
    %dot_general3A = arith.constant dense<0.000000e+00> : vector<2000x128xf32>
    %dot_general3A_15 = tpu.matmul %add3A, %get3A_14, %dot_general3A {dimension_numbers = #tpu.dot_dimension_numbers<[1], [0], [0], [1], [0, 0, 1, 1], [], []>, transpose_lhs_hint = false} : vector<2000x128xf32>, vector<128x128xf32>, vector<2000x128xf32> -> vector<2000x128xf32>
    %add3A_16 = arith.addf %get3A_11, %dot_general3A_15 : vector<2000x128xf32>
    %max3A = arith.constant 0.000000e+00 : f32
    %max3A_17 = vector.broadcast %max3A : f32 to vector<2000x128xf32>
    %max3A_18 = arith.maximumf %add3A_16, %max3A_17 : vector<2000x128xf32>
    %get3A_19 = arith.constant 0 : index
    %get3A_20 = arith.constant 0 : index
    %get3A_21 = vector.load %arg4[%get3A_19, %get3A_20] : memref<128x128xf32, #tpu.memory_space<vmem>>, vector<128x128xf32>
    %dot_general3A_22 = arith.constant dense<0.000000e+00> : vector<2000x128xf32>
    %dot_general3A_23 = tpu.matmul %max3A_18, %get3A_21, %dot_general3A_22 {dimension_numbers = #tpu.dot_dimension_numbers<[1], [0], [0], [1], [0, 0, 1, 1], [], []>, transpose_lhs_hint = false} : vector<2000x128xf32>, vector<128x128xf32>, vector<2000x128xf32> -> vector<2000x128xf32>
    %get3A_24 = arith.constant 0 : index
    %get3A_25 = arith.constant 0 : index
    %get3A_26 = vector.load %arg5[%get3A_24, %get3A_25] : memref<1x128xf32, #tpu.memory_space<vmem>>, vector<1x128xf32>
    %add3A_27 = vector.broadcast %get3A_26 : vector<1x128xf32> to vector<2000x128xf32>
    %add3A_28 = arith.addf %dot_general3A_23, %add3A_27 : vector<2000x128xf32>
    %swap3A = arith.constant 0 : index
    %swap3A_29 = arith.constant 0 : index
    %swap3A_30 = vector.load %arg6[%swap3A, %swap3A_29] : memref<2000x128xf32, #tpu.memory_space<vmem>>, vector<2000x128xf32>
    tpu.vector_store %arg6[%swap3A, %swap3A_29], %add3A_28 {strides = array<i32>} : memref<2000x128xf32, #tpu.memory_space<vmem>>, vector<2000x128xf32>,
    return
  }
  func.func @transform_0(%arg0: i32) -> (i32, i32) {
    %c0_i32 = arith.constant 0 : i32
    %c0_i32_0 = arith.constant 0 : i32
    return %arg0, %c0_i32 : i32, i32
  }
  func.func @transform_1(%arg0: i32) -> (i32, i32, i32) {
    %c0_i32 = arith.constant 0 : i32
    %c0_i32_0 = arith.constant 0 : i32
    %c0_i32_1 = arith.constant 0 : i32
    return %c0_i32, %arg0, %c0_i32_0 : i32, i32, i32
  }
  func.func @transform_2(%arg0: i32) -> (i32, i32) {
    %c0_i32 = arith.constant 0 : i32
    %c0_i32_0 = arith.constant 0 : i32
    %c0_i32_1 = arith.constant 0 : i32
    return %c0_i32, %c0_i32_0 : i32, i32
  }
  func.func @transform_3(%arg0: i32) -> (i32, i32) {
    %c0_i32 = arith.constant 0 : i32
    %c0_i32_0 = arith.constant 0 : i32
    %c0_i32_1 = arith.constant 0 : i32
    return %c0_i32, %c0_i32_0 : i32, i32
  }
  func.func @transform_4(%arg0: i32) -> (i32, i32) {
    %c0_i32 = arith.constant 0 : i32
    %c0_i32_0 = arith.constant 0 : i32
    %c0_i32_1 = arith.constant 0 : i32
    return %c0_i32, %c0_i32_0 : i32, i32
  }
  func.func @transform_5(%arg0: i32) -> (i32, i32) {
    %c0_i32 = arith.constant 0 : i32
    %c0_i32_0 = arith.constant 0 : i32
    return %arg0, %c0_i32 : i32, i32
  }
}

</mosaic_0001>

<sc_bundles>
// kernel: kernel.5.cloned.1.call-start
scs
__scs_entry_jumppad:
0x0: {  	(pc) =	sbr.rel $0x88, $3  }
0x1: {  	(tag) =	ssettag $0x0;
	lr =	simm.s32 $0x1  }
0x2: {  	[smem:$0x3F9A] =	sst lr;
	_ =	strace $0xD0000000  }
0x3: {  	_ = 	snop  }
0x4: {  	_ = 	snop  }
0x5: {  	_ = 	snop  }
0x6: {  	_ = 	snop  }
0x7: {  	_ = 	snop  }
__scs_overlays_trampoline_lowered:
0x8: {  	[smem:$0x3FA9] =	sst s0  }
0x9: {  	[smem:$0x3FAA] =	sst s1  }
0xa: {  	[smem:$0x3FAB] =	sst s2  }
0xb: {  	[smem:$0x3FAC] =	sst s3  }
0xc: {  	[smem:$0x3FAD] =	sst s4  }
0xd: {  	[smem:$0x3FAE] =	sst s5  }
0xe: {  	[smem:$0x3FAF] =	sst s6  }
0xf: {  	[smem:$0x3FB0] =	sst s7  }
0x10: {  	[smem:$0x3FB1] =	sst s8  }
0x11: {  	[smem:$0x3FB2] =	sst s9;
	s0 =	simm.s32 @!p0 $0x0  }
0x12: {  	s1 =	sld [smem:$0x3F98];
	s0 =	simm.s32 @p0 $0x1  }
0x13: {  	[smem:$0x3FB3] =	sst s0;
	s0 =	simm.s32 @!p1 $0x0  }
0x14: {  	s2 =	sld [smem:$0x3F97];
	s0 =	simm.s32 @p1 $0x1  }
0x15: {  	[smem:$0x3FB4] =	sst s0;
	s0 =	simm.s32 @!p2 $0x0  }
0x16: {  	s3 =	sld [smem:$0x3FDB];
	s0 =	simm.s32 @p2 $0x1  }
0x17: {  	s4 =	simm.s32 $0x1BF5;
	[smem:$0x3FB6] =	sst s0  }
0x18: {  	s0 =	sld [smem:$0x3F99];
	_ =	swait.ge [sflag:s4], $0x0  }
0x19: {  	s7 =	sld [smem:$0x3F9A]  }
0x1a: {  	s8 =	sadd.s32 $0xFFFFE003, lr  }
0x1b: {  	s9 =	sadd.s32 $0xFFFFFEF7, lr;
	s5 =	simm.s32 $0xFFFFFFFF;
	p2 =	slt.u32 s8, $0xFFFFF086  }
0x1c: {  	p1 =	slt.u32 s9, $0xF7A;
	s5 =	simm.s32 @!p2 $0x0  }
0x1d: {  	s5 =	simm.s32 @p1 $0x1;
	p0 =	seq.s32 s7, s2  }
0x1e: {  	s7 =	smul.u32 @!p0 $0xF7A, s2;
	p2 =	seq.s32 @!p0 s5, $0x0  }
0x1f: {  	s9 =	smul.u32 $0xF7A, s1;
	s8 =	simm.s32 @!p0 $0x1BF5;
	p2 =	por !p2, p0  }
0x20: {  	[sflag:s8] =	ssyncset.s32 @!p0 $0xFFFFF086;
	s6 =	sadd.s32 @!p0 s3, s7;
	s7 =	simm.s32 @!p0 $0x108  }
0x21: {  	s3 =	sadd.s32 s3, s9;
	s6 =	sadd.s32 @!p0 $0x88, s6;
	s7 =	simm.s32 @p2 $0x1082  }
0x22: {  	[simem:s7], [sflag:s8] =	dma.local @!p0 [hbm:s6], $0xF7A  }
0x23: {  	s9 =	sor.u32 $0xD0000000, s2;
	s6 =	simm.s32 $0x108;
	_ =	swait.ge @!p0 [sflag:s8], $0x0  }
0x24: {  	s3 =	sadd.s32 $0x88, s3;
	s6 =	simm.s32 @!p1 $0x1082;
	[sflag:s4] =	ssyncset.s32 $0xFFFFF086  }
0x25: {  	[simem:s6], [sflag:s4] =	dma.local [hbm:s3], $0xF7A  }
0x26: {  	[smem:$0x3F9A] =	sst s1;
	(tag) =	ssettag s2;
	_ =	strace s9  }
0x27: {  	s1 =	sld [smem:$0x3FAA]  }
0x28: {  	s2 =	sld [smem:$0x3FAB]  }
0x29: {  	s4 =	sld [smem:$0x3FAD]  }
0x2a: {  	p0 =	seq.s32 s5, $0x0;
	s5 =	sld [smem:$0x3FAE]  }
0x2b: {  	s6 =	sld [smem:$0x3FAF]  }
0x2c: {  	s7 =	sld [smem:$0x3FB0]  }
0x2d: {  	s3 =	simm.s32 $0x108;
	s8 =	sld [smem:$0x3FB1]  }
0x2e: {  	s3 =	simm.s32 @!p0 $0x1082;
	s9 =	sld [smem:$0x3FB2]  }
0x2f: {  	lr =	sadd.s32 s0, s3;
	s0 =	sld [smem:$0x3FA9]  }
0x30: {  	s3 =	sld [smem:$0x3FAC]  }
0x31: {  	[smem:$0x3FB5] =	sst s10  }
0x32: {  	s10 =	sld [smem:$0x3FB3];
	_ =	sdelay $0x3  }
0x33: {  	p0 =	seq.s32 s10, $0x1;
	s10 =	sld [smem:$0x3FB5];
	_ =	sdelay $0x3  }
0x34: {  	[smem:$0x3FB5] =	sst s10  }
0x35: {  	s10 =	sld [smem:$0x3FB4];
	_ =	sdelay $0x3  }
0x36: {  	p1 =	seq.s32 s10, $0x1;
	s10 =	sld [smem:$0x3FB5];
	_ =	sdelay $0x3  }
0x37: {  	[smem:$0x3FB5] =	sst s10  }
0x38: {  	s10 =	sld [smem:$0x3FB6]  }
0x39: {  	_ = 	snop;
	(pc) =	sbr.ind lr, $3  }
0x3a: {  	_ = 	snop  }
0x3b: {  	_ = 	snop  }
0x3c: {  	p2 =	seq.s32 s10, $0x1;
	s10 =	sld [smem:$0x3FB5]  }
0x3d: {  	_ =	shalt  }
0x3e: {  	_ =	shalt  }
0x3f: {  	_ =	shalt  }
0x40: {  	_ =	shalt  }
0x41: {  	_ =	shalt  }
0x42: {  	_ =	shalt  }
0x43: {  	_ =	shalt  }
0x44: {  	_ =	shalt  }
0x45: {  	_ =	shalt  }
0x46: {  	_ =	shalt  }
0x47: {  	_ =	shalt  }
0x48: {  	_ =	shalt  }
0x49: {  	_ =	shalt  }
0x4a: {  	_ =	shalt  }
0x4b: {  	_ =	shalt  }
0x4c: {  	_ =	shalt  }
0x4d: {  	_ =	shalt  }
0x4e: {  	_ =	shalt  }
0x4f: {  	_ =	shalt  }
0x50: {  	_ =	shalt  }
0x51: {  	_ =	shalt  }
0x52: {  	_ =	shalt  }
0x53: {  	_ =	shalt  }
0x54: {  	_ =	shalt  }
0x55: {  	_ =	shalt  }
0x56: {  	_ =	shalt  }
0x57: {  	_ =	shalt  }
0x58: {  	_ =	shalt  }
0x59: {  	_ =	shalt  }
0x5a: {  	_ =	shalt  }
0x5b: {  	_ =	shalt  }
0x5c: {  	_ =	shalt  }
0x5d: {  	_ =	shalt  }
0x5e: {  	_ =	shalt  }
0x5f: {  	_ =	shalt  }
0x60: {  	_ =	shalt  }
0x61: {  	_ =	shalt  }
0x62: {  	_ =	shalt  }
0x63: {  	_ =	shalt  }
0x64: {  	_ =	shalt  }
0x65: {  	_ =	shalt  }
0x66: {  	_ =	shalt  }
0x67: {  	_ =	shalt  }
0x68: {  	_ =	shalt  }
0x69: {  	_ =	shalt  }
0x6a: {  	_ =	shalt  }
0x6b: {  	_ =	shalt  }
0x6c: {  	_ =	shalt  }
0x6d: {  	_ =	shalt  }
0x6e: {  	_ =	shalt  }
0x6f: {  	_ =	shalt  }
0x70: {  	_ =	shalt  }
0x71: {  	_ =	shalt  }
0x72: {  	_ =	shalt  }
0x73: {  	_ =	shalt  }
0x74: {  	_ =	shalt  }
0x75: {  	_ =	shalt  }
0x76: {  	_ =	shalt  }
0x77: {  	_ =	shalt  }
0x78: {  	_ =	shalt  }
0x79: {  	_ =	shalt  }
0x7a: {  	_ =	shalt  }
0x7b: {  	_ =	shalt  }
0x7c: {  	_ =	shalt  }
0x7d: {  	_ =	shalt  }
0x7e: {  	_ =	shalt  }
0x7f: {  	_ =	shalt  }
0x80: {  	_ =	shalt  }
0x81: {  	_ =	shalt  }
0x82: {  	_ =	shalt  }
0x83: {  	_ =	shalt  }
0x84: {  	_ =	shalt  }
0x85: {  	_ =	shalt  }
0x86: {  	_ =	shalt  }
0x87: {  	_ =	shalt  }
.Lfunc_end0:
.L_simem_size_0:
called_computation_lowered:
.L_overlay_start_0:
0x88: {  	s2 =	sld [smem:$0x3FD9]  }
0x89: {  	s3 =	sld [smem:$0x3FFE];
	_ =	sdelay $0x1  }
0x8a: {  	s1 =	srdreg.scid  }
0x8b: {  	s0 =	sand.u32 $0x1, s1  }
0x8c: {  	s17 =	sshll.u32 s0, $0xA;
	s2 =	sadd.s32 s3, s2  }
0x8d: {  	s2 =	sadd.s32 s2, s17  }
0x8e: {  	[smem:$0x3FC1] =	sst s2  }
0x8f: {  	_ = 	snop  }
0x90: {  	s2 =	sld [smem:$0x3FC9]  }
0x91: {  	s18 =	sld [smem:$0x3FD0];
	(tm) =	ssettm $0x1  }
0x92: {  	s4 =	sld [smem:$0x3FFB];
	_ =	sdelay $0x3  }
0x93: {  	_ =	strace s4  }
0x94: {  	s4 =	sld [smem:$0x3FFC];
	_ =	sdelay $0x3  }
0x95: {  	_ =	strace s4  }
0x96: {  	s4 =	sld [smem:$0x3FFD];
	_ =	sdelay $0x3  }
0x97: {  	_ =	strace s4  }
0x98: {  	_ =	strace $0x8FFFFFFF  }
0x99: {  	s19 =	sld [smem:$0x3FDB];
	_ =	sdelay $0x1  }
0x9a: {  	s5 =	simm.s32 $_scs_section_size  }
0x9b: {  	s6 =	simm.s32 $_size__tile_overlayer_lowered;
	s7 =	simm.s32 $_tile_overlayer_lowered  }
0x9c: {  	s22 =	simm.s32 $0x1BFF;
	s21 =	sshll.u32 s7, $0x1;
	s4 =	sadd.s32 s5, s19  }
0x9d: {  	s8 =	simm.s32 $0x0;
	s20 =	sshll.u32 s6, $0x1;
	s6 =	sadd.s32 s21, s4  }
0x9e: {  	[timem:s8], [sflag:s22] =	dma.local [hbm:s6], s20  }
0x9f: {  	_ =	swait.ge [sflag:s22], s20  }
0xa0: {  	s5 =	ssub.s32 $0x0, s20;
	[sflag:s22] =	ssyncset.done $0x0  }
0xa1: {  	[sflag:s22] =	ssyncadd.s32 s5;
	_ =	sdelay $0x1  }
0xa2: {  	s23 =	simm.s32 $0x1B8B  }
0xa3: {  	_ =	swait.ge [sflag:s23], $0x1  }
0xa4: {  	[sflag:s23] =	ssyncset.done $0x0  }
0xa5: {  	s25 =	simm.s32 $0x1B8E;
	s24 =	sld [smem:$0x3FFE];
	[sflag:s23] =	ssyncadd.s32 $0xFFFFFFFF  }
0xa6: {  	s26 =	simm.s32 $execute0_lowered;
	[smem:$0x3FD2] =	sst s25  }
0xa7: {  	s6 =	sshll.u32 s26, $0x1;
	_ =	strace $0x80000046;
	[dreg:$0x1] =	wrdreg $0xFFFFFFFF  }
0xa8: {  	s28 =	simm.s32 $_size_execute0_lowered;
	s4 =	sadd.s32 s4, s6;
	[dreg:$0x0] =	wrdreg $0x0  }
0xa9: {  	s6 =	sshll.u32 s28, $0x1;
	[dreg:$0x2] =	wrdreg s4  }
0xaa: {  	[dreg:$0x3] =	wrdreg s6  }
0xab: {  	[dreg:$0x4] =	wrdreg $0xC0  }
0xac: {  	_ =	task [dreg:s8], $0x5FFFF  }
0xad: {  	[dreg:$0x1] =	wrdreg $0xFFFFFFFF  }
0xae: {  	[dreg:$0x0] =	wrdreg $0x60  }
0xaf: {  	[dreg:$0x2] =	wrdreg s2  }
0xb0: {  	[dreg:$0x3] =	wrdreg s18  }
0xb1: {  	[dreg:$0x4] =	wrdreg s24  }
0xb2: {  	[dreg:$0x5] =	wrdreg $0xBA000  }
0xb3: {  	[dreg:$0x6] =	wrdreg $0x9  }
0xb4: {  	_ =	task.clear_ibuf [dreg:s8], $0x7FFFF;
	_ =	strace $0x90000046  }
0xb5: {  	s29 =	simm.s32 $0x9;
	_ =	strace $0x80000048  }
0xb6: {  	_ =	swait.ge [sflag:s29], $0x1  }
0xb7: {  	[sflag:s29] =	ssyncadd.s32 $0xFFFFFFFF  }
0xb8: {  	_ =	strace $0x90000048  }
0xb9: {  	_ =	sfence  }
0xba: {  	s30 =	sld [smem:$0x0];
	_ =	sdelay $0x2  }
0xbb: {  	s31 =	sshll.u32 s1, $0xD;
	s1 =	sshrl.u32 s1, $0x2  }
0xbc: {  	s3 =	sand.u32 $0x4000, s31;
	s1 =	sadd.s32 s1, s30  }
0xbd: {  	s0 =	sor.u32 s3, s0;
	s1 =	sshll.u32 s1, $0x11  }
0xbe: {  	s0 =	sor.u32 s1, s0  }
0xbf: {  	s0 =	sadd.s32 $0x8F2B, s0  }
0xc0: {  	[sflag:s0] =	ssyncadd.remote.s32 $0x1  }
0xc1: {  	_ =	sfence.sel $0xFFFF  }
0xc2: {  	[dreg:$0x0] =	wrdreg $0xFFFFFFFF;
	(pc) =	sbr.abs _section_cstart, $3  }
0xc3: {  	[dreg:$0x1] =	wrdreg $0xFFFFFFFF  }
0xc4: {  	_ =	task.clear_ibuf [dreg:s8], $0x2FFFF;
	_ =	strace $0x9FFFFFFF  }
0xc5: {  	(tm) =	ssettm $0x7FFFFFFF  }
tec
execute0_lowered:
.L_overlay_start_1:
0x0: {  	(tag) =	ssettag $0x1  }
0x1: {  	s1 =	rddreg [dreg:$0x0]  }
0x2: {  	s11 =	rddreg [dreg:$0x1]  }
0x3: {  	s0 =	rddreg [dreg:$0x2];
	s10 =	stileid.u32  }
0x4: {  	s4 =	rddreg [dreg:$0x3];
	s3 =	smul.u32 $0x13C00, s10  }
0x5: {  	s2 =	srdreg.scid;
	s5 =	simm.s32 $0x0;
	s24 =	smul.u32 $0x4F000, s10  }
0x6: {  	s31 =	simm.s32 $0x100;
	s2 =	sand.u32 $0x1, s2;
	s26 =	smul.u32 $0x2760, s10  }
0x7: {  	[smem:$0x7FF] =	sst s5;
	s12 =	sadd.s32 $0x1000, s0;
	s6 =	smul.u32 $0x13C000, s2  }
0x8: {  	s7 =	sshll.u32 s2, $0x4;
	_ =	strace $0x80000047;
	s19 =	ssub.s32 $0x2, s2  }
0x9: {  	s2 =	smul.u32 $0x27600, s2;
	[dreg:$0x5] =	wrdreg s12;
	s7 =	sor.u32 s10, s7  }
0xa: {  	s8 =	sshrl.u32 s3, $0x3;
	s20 =	sshrl.u32 s19, $0x1;
	s30 =	sshrl.u32 s24, $0x2  }
0xb: {  	s3 =	sadd.s32 s3, s6;
	s17 =	smul.u32 $0x2760, s7;
	s18 =	sadd.s32 s8, s0  }
0xc: {  	s2 =	sadd.s32 s26, s2;
	s3 =	sshrl.u32 s3, $0x3;
	s7 =	sadd.s32 $0xAE00, s18  }
0xd: {  	s16 =	sadd.s32 $0x3C0, s2;
	s24 =	sadd.s32 $0x1E0, s2;
	s0 =	sadd.s32 s3, s0  }
0xe: {  	s9 =	sadd.s32 $0x78, s17;
	s3 =	ssub.s32 s19, s20;
	s21 =	sshrl.u32 s17, $0x3  }
0xf: {  	s6 =	sadd.s32 $0x168, s17;
	[dreg:$0xf] =	wrdreg s7;
	s17 =	sadd.s32 $0x348, s2  }
0x10: {  	s18 =	sshrl.u32 s16, $0x3;
	s16 =	simm.s32 $0x2;
	s13 =	sadd.s32 s11, s21  }
0x11: {  	s7 =	simm.s32 $0x500;
	s22 =	sadd.s32 s12, s21;
	[dreg:$0x6] =	wrdreg s13  }
0x12: {  	s9 =	sshrl.u32 s9, $0x3;
	s0 =	sadd.s32 $0x32600, s0;
	[dreg:$0x7] =	wrdreg s22  }
0x13: {  	s8 =	sadd.s32 $0x1E, s21;
	s20 =	sadd.s32 s18, s12;
	[dreg:$0x11] =	wrdreg s0  }
0x14: {  	s6 =	sshrl.u32 s6, $0x3;
	s23 =	sadd.s32 s11, s9;
	[dreg:$0x15] =	wrdreg s20  }
0x15: {  	s19 =	sshrl.u32 s17, $0x3;
	s9 =	sadd.s32 s12, s9;
	[dreg:$0x8] =	wrdreg s23  }
0x16: {  	s17 =	simm.s32 $0x200;
	s25 =	sadd.s32 s11, s8;
	[dreg:$0x9] =	wrdreg s9  }
0x17: {  	s8 =	sadd.s32 s12, s8;
	s29 =	sadd.s32 s11, s6;
	[dreg:$0xa] =	wrdreg s25  }
0x18: {  	s6 =	sadd.s32 s12, s6;
	s13 =	smax.u32 s3, $0x1;
	[dreg:$0xb] =	wrdreg s8  }
0x19: {  	s21 =	sadd.s32 s19, s12;
	s22 =	sadd.s32 s19, s11;
	[dreg:$0xc] =	wrdreg s29  }
0x1a: {  	s19 =	simm.s32 $0x7;
	s3 =	simm.s32 $0x7E00;
	[dreg:$0xd] =	wrdreg s6  }
0x1b: {  	s20 =	simm.s32 $0x4;
	s6 =	sadd.s32 s30, s4;
	[dreg:$0x12] =	wrdreg s13  }
0x1c: {  	s9 =	sshll.u32 s10, $0x6;
	s10 =	sadd.s32 $0x438, s2;
	[dreg:$0x17] =	wrdreg s21  }
0x1d: {  	[dreg:$0x18] =	wrdreg s22;
	s23 =	sadd.s32 $0x258, s2;
	s2 =	sadd.s32 $0x2D0, s2  }
0x1e: {  	s25 =	sshrl.u32 s24, $0x3;
	s13 =	simm.s32 $0x1;
	s21 =	simm.s32 $0x9  }
0x1f: {  	s22 =	simm.s32 $0xB;
	s24 =	simm.s32 $0xC;
	[dreg:$0xe] =	wrdreg s6  }
0x20: {  	s28 =	sor.u32 $0x1C0D, s9;
	[dreg:$0x19] =	wrdreg s2;
	s29 =	sadd.s32 s25, s12  }
0x21: {  	s14 =	sshrl.u32 s10, $0x3;
	s30 =	sadd.s32 s25, s11;
	[dreg:$0x1c] =	wrdreg s29  }
0x22: {  	s9 =	simm.s32 $0x400;
	s10 =	simm.s32 $0x180;
	[dreg:$0x1d] =	wrdreg s30  }
0x23: {  	s2 =	simm.s32 $0xA;
	s15 =	sadd.s32 s14, s12;
	[dreg:$0x10] =	wrdreg s28  }
0x24: {  	s25 =	simm.s32 $0x6;
	s0 =	sadd.s32 s14, s11;
	[dreg:$0x13] =	wrdreg s15  }
0x25: {  	s6 =	simm.s32 $0x0;
	s14 =	simm.s32 $0x78;
	[dreg:$0x14] =	wrdreg s0  }
.Ltmp0:
0x26: {  	s0 =	sadd.s32 s18, s11;
	s15 =	simm.s32 $0x600;
	(pc) =	sbr.rel .LBB2_1-.Ltmp0, $4  }
0x27: {  	s18 =	simm.s32 $0x4200;
	[dreg:$0x16] =	wrdreg s0;
	s0 =	sshrl.u32 s23, $0x3  }
0x28: {  	s23 =	simm.s32 $0x5;
	s26 =	sadd.s32 s0, s12;
	s0 =	sadd.s32 s0, s11  }
0x29: {  	s11 =	simm.s32 $0x480;
	s12 =	simm.s32 $0x3;
	[dreg:$0x1a] =	wrdreg s26  }
0x2a: {  	[dreg:$0x1b] =	wrdreg s0;
	s26 =	simm.s32 $0xD;
	s0 =	simm.s32 $0x8  }
.LBB2_4:
0x2b: {  	_ =	swait.ge [sflag:s21], $0x3C00  }
0x2c: {  	[sflag:s21] =	ssyncset.done $0x0  }
0x2d: {  	s6 =	simm.s32 $0x580;
	[sflag:s21] =	ssyncadd.s32 $0xFFFFC400  }
0x2e: {  	[spmem:s4] =	stream.indirect.scatter.add.f32 [tilespmem:s3], [sflag:$0xC], $0x80, s6, s14, $0xb8;
	[tilespmem:$0x1F600] =	vst v63  }
0x2f: {  	_ =	swait.ge [sflag:s22], $0x3C00  }
0x30: {  	[sflag:s22] =	ssyncset.done $0x0  }
0x31: {  	[sflag:s22] =	ssyncadd.s32 $0xFFFFC400  }
0x32: {  	_ =	swait.ge [sflag:s24], $0x3C00  }
0x33: {  	[sflag:s24] =	ssyncset.done $0x0  }
0x34: {  	[sflag:s24] =	ssyncadd.s32 $0xFFFFC400  }
0x35: {  	[bflag:$0x0] =	sbarrier.arrive $0xFFFF  }
0x36: {  	s28 =	rddreg [dreg:$0x10]  }
0x37: {  	s8 =	rddreg [dreg:$0x11]  }
0x38: {  	s26 =	rddreg [dreg:$0x1f]  }
0x39: {  	[hbm:s8], [sflag:s28] =	dma.local [spmem:s26], $0x2780  }
0x3a: {  	s26 =	simm.s32 $0xD  }
0x3b: {  	_ =	swait.ge [sflag:s26], $0x2780  }
0x3c: {  	s29 =	rddreg [dreg:$0x1e]  }
0x3d: {  	s30 =	rddreg [dreg:$0x12];
	s6 =	sadd.s32 $0x1, s29  }
0x3e: {  	p0 =	sne.s32 s6, s30  }
.Ltmp1:
0x3f: {  	_ = 	snop;
	(pc) =	sbr.rel @!p0 .LBB2_5-.Ltmp1, $3  }
0x40: {  	_ =	sdelay $0x1  }
0x41: {  	s31 =	simm.s32 $0x100;
	s9 =	simm.s32 $0x400;
	[sflag:s26] =	ssyncset.done $0x0  }
0x42: {  	s10 =	simm.s32 $0x180;
	s11 =	simm.s32 $0x480;
	[sflag:s26] =	ssyncadd.s32 $0xFFFFD880  }
.LBB2_1:
0x43: {  	[dreg:$0x1e] =	wrdreg s6  }
0x44: {  	s8 =	rddreg [dreg:$0x6]  }
0x45: {  	[tilespmem:s5], [sflag:$0x1] =	stream.linear.gather [hbm4b:s8+s5], $0x78, $0x38;
	[tilespmem:$0x1F600] =	vst v63  }
0x46: {  	s6 =	rddreg [dreg:$0x7];
	s29 =	simm.s32 $0x300  }
0x47: {  	[tilespmem:s29], [sflag:$0x1] =	stream.linear.gather [hbm4b:s6+s5], $0x78, $0x38;
	[tilespmem:$0x1F600] =	vst v63  }
0x48: {  	s30 =	rddreg [dreg:$0x8];
	s29 =	simm.s32 $0x80  }
0x49: {  	[tilespmem:s29], [sflag:$0x2] =	stream.linear.gather [hbm4b:s30+s5], $0x78, $0x38;
	[tilespmem:$0x1F600] =	vst v63  }
0x4a: {  	s6 =	rddreg [dreg:$0x9];
	s30 =	simm.s32 $0x380  }
0x4b: {  	[tilespmem:s30], [sflag:$0x2] =	stream.linear.gather [hbm4b:s6+s5], $0x78, $0x38;
	[tilespmem:$0x1F600] =	vst v63  }
0x4c: {  	s6 =	rddreg [dreg:$0xa]  }
0x4d: {  	s30 =	rddreg [dreg:$0xb]  }
0x4e: {  	[tilespmem:s31], [sflag:$0x3] =	stream.linear.gather [hbm4b:s6+s5], $0x78, $0x38;
	[tilespmem:$0x1F600] =	vst v63  }
0x4f: {  	s6 =	rddreg [dreg:$0xc]  }
0x50: {  	[tilespmem:s9], [sflag:$0x3] =	stream.linear.gather [hbm4b:s30+s5], $0x78, $0x38;
	[tilespmem:$0x1F600] =	vst v63  }
0x51: {  	s30 =	rddreg [dreg:$0xd]  }
0x52: {  	[tilespmem:s10], [sflag:$0x4] =	stream.linear.gather [hbm4b:s6+s5], $0x78, $0x38;
	[tilespmem:$0x1F600] =	vst v63  }
0x53: {  	s6 =	rddreg [dreg:$0xe]  }
0x54: {  	[tilespmem:s11], [sflag:$0x4] =	stream.linear.gather [hbm4b:s30+s5], $0x78, $0x38;
	[tilespmem:$0x1F600] =	vst v63  }
0x55: {  	s11 =	sshrl.u32 s6, $0x3;
	s30 =	rddreg [dreg:$0xf]  }
0x56: {  	[dreg:$0x1f] =	wrdreg s11  }
0x57: {  	[spmem:s11], [sflag:s28] =	dma.local [hbm:s30], $0x2780  }
0x58: {  	_ =	swait.ge [sflag:s26], $0x2780  }
0x59: {  	[sflag:s26] =	ssyncset.done $0x0  }
0x5a: {  	[sflag:s26] =	ssyncadd.s32 $0xFFFFD880  }
0x5b: {  	_ =	swait.ge [sflag:s13], $0x78  }
0x5c: {  	[sflag:s13] =	ssyncset.done $0x0  }
0x5d: {  	[sflag:s13] =	ssyncadd.s32 $0xFFFFFF88  }
0x5e: {  	_ =	swait.ge [sflag:s13], $0x78  }
0x5f: {  	[sflag:s13] =	ssyncset.done $0x0  }
0x60: {  	[sflag:s13] =	ssyncadd.s32 $0xFFFFFF88  }
0x61: {  	[tilespmem:s15], [sflag:$0x7] =	stream.indirect.gather [hbm4b:s1+s14], $0x80, s5, s14, $0xb8;
	[tilespmem:$0x1F600] =	vst v63  }
0x62: {  	_ =	swait.ge [sflag:s16], $0x78  }
0x63: {  	[sflag:s16] =	ssyncset.done $0x0  }
0x64: {  	[sflag:s16] =	ssyncadd.s32 $0xFFFFFF88  }
0x65: {  	_ =	swait.ge [sflag:s16], $0x78  }
0x66: {  	[sflag:s16] =	ssyncset.done $0x0  }
0x67: {  	[sflag:s16] =	ssyncadd.s32 $0xFFFFFF88  }
0x68: {  	[tilespmem:s18], [sflag:$0x8] =	stream.indirect.gather [hbm4b:s1+s14], $0x80, s29, s14, $0xb8;
	[tilespmem:$0x1F600] =	vst v63  }
0x69: {  	[bflag:$0x0] =	sbarrier.arrive $0xFFFF  }
0x6a: {  	s26 =	simm.s32 $0x480;
	s29 =	simm.s32 $0x0;
	s28 =	rddreg [dreg:$0x19]  }
.LBB2_2:
0x6b: {  	_ =	swait.ge [sflag:s19], $0x3C00  }
0x6c: {  	p0 =	seq.s32 s29, $0x0;
	[sflag:s19] =	ssyncset.done $0x0  }
0x6d: {  	s8 =	simm.s32 $0x300;
	s30 =	simm.s32 @!p0 $0xC;
	[sflag:s19] =	ssyncadd.s32 $0xFFFFC400  }
0x6e: {  	[spmem:s4] =	stream.indirect.scatter.add.f32 [tilespmem:s15], [sflag:$0xA], $0x80, s8, s14, $0xb8;
	[tilespmem:$0x1F600] =	vst v63  }
0x6f: {  	_ =	swait.ge @!p0 [sflag:s30], $0x3C00  }
0x70: {  	[sflag:s30] =	ssyncset.done @!p0 $0x0;
	s6 =	rddreg [dreg:$0x1d]  }
0x71: {  	[sflag:s30] =	ssyncadd.s32 @!p0 $0xFFFFC400;
	s11 =	sadd.s32 s29, s6;
	s6 =	rddreg [dreg:$0x1c]  }
0x72: {  	[tilespmem:s17], [sflag:$0x5] =	stream.linear.gather [hbm4b:s11+s5], $0x78, $0x38;
	[tilespmem:$0x1F600] =	vst v63  }
0x73: {  	s11 =	sadd.s32 s29, s6  }
0x74: {  	[tilespmem:s7], [sflag:$0x5] =	stream.linear.gather [hbm4b:s11+s5], $0x78, $0x38;
	[tilespmem:$0x1F600] =	vst v63  }
0x75: {  	_ =	swait.ge [sflag:s12], $0x78  }
0x76: {  	[sflag:s12] =	ssyncset.done $0x0  }
0x77: {  	[sflag:s12] =	ssyncadd.s32 $0xFFFFFF88  }
0x78: {  	_ =	swait.ge [sflag:s12], $0x78  }
0x79: {  	[sflag:s12] =	ssyncset.done $0x0  }
0x7a: {  	[sflag:s12] =	ssyncadd.s32 $0xFFFFFF88  }
0x7b: {  	[tilespmem:s3], [sflag:$0x9] =	stream.indirect.gather [hbm4b:s1+s14], $0x80, s31, s14, $0xb8;
	[tilespmem:$0x1F600] =	vst v63  }
0x7c: {  	_ =	swait.ge [sflag:s0], $0x3C00  }
0x7d: {  	[sflag:s0] =	ssyncset.done $0x0  }
0x7e: {  	s31 =	simm.s32 $0x380;
	[sflag:s0] =	ssyncadd.s32 $0xFFFFC400  }
0x7f: {  	[spmem:s4] =	stream.indirect.scatter.add.f32 [tilespmem:s18], [sflag:$0xB], $0x80, s31, s14, $0xb8;
	[tilespmem:$0x1F600] =	vst v63  }
0x80: {  	_ =	swait.ge [sflag:s2], $0x3C00  }
0x81: {  	s6 =	rddreg [dreg:$0x1b]  }
0x82: {  	[sflag:s2] =	ssyncset.done $0x0;
	s31 =	rddreg [dreg:$0x1a]  }
0x83: {  	[sflag:s2] =	ssyncadd.s32 $0xFFFFC400;
	s11 =	sadd.s32 s29, s6;
	s6 =	simm.s32 $0x280  }
0x84: {  	[tilespmem:s6], [sflag:$0x6] =	stream.linear.gather [hbm4b:s11+s5], $0x78, $0x38;
	[tilespmem:$0x1F600] =	vst v63  }
0x85: {  	s11 =	sadd.s32 s29, s31;
	s31 =	simm.s32 $0x580  }
0x86: {  	[tilespmem:s31], [sflag:$0x6] =	stream.linear.gather [hbm4b:s11+s5], $0x78, $0x38;
	[tilespmem:$0x1F600] =	vst v63  }
0x87: {  	_ =	swait.ge [sflag:s20], $0x78  }
0x88: {  	[sflag:s20] =	ssyncset.done $0x0  }
0x89: {  	[sflag:s20] =	ssyncadd.s32 $0xFFFFFF88  }
0x8a: {  	_ =	swait.ge [sflag:s20], $0x78  }
0x8b: {  	[sflag:s20] =	ssyncset.done $0x0  }
0x8c: {  	[sflag:s20] =	ssyncadd.s32 $0xFFFFFF88  }
0x8d: {  	[tilespmem:s15], [sflag:$0x7] =	stream.indirect.gather [hbm4b:s1+s14], $0x80, s10, s14, $0xb8;
	[tilespmem:$0x1F600] =	vst v63  }
0x8e: {  	_ =	swait.ge [sflag:s21], $0x3C00  }
0x8f: {  	[sflag:s21] =	ssyncset.done $0x0  }
0x90: {  	[sflag:s21] =	ssyncadd.s32 $0xFFFFC400  }
0x91: {  	[spmem:s4] =	stream.indirect.scatter.add.f32 [tilespmem:s3], [sflag:$0xC], $0x80, s9, s14, $0xb8;
	[tilespmem:$0x1F600] =	vst v63  }
0x92: {  	_ =	swait.ge [sflag:s22], $0x3C00  }
0x93: {  	[sflag:s22] =	ssyncset.done $0x0  }
0x94: {  	p0 =	seq.s32 s29, $0x492;
	[sflag:s22] =	ssyncadd.s32 $0xFFFFC400  }
0x95: {  	s30 =	sshrl.u32 @!p0 s28, $0x3;
	s8 =	rddreg [dreg:$0x1]  }
0x96: {  	s31 =	sadd.s32 @!p0 s8, s30;
	s8 =	simm.s32 @!p0 $0x0  }
0x97: {  	[tilespmem:s8], [sflag:$0x1] =	stream.linear.gather @!p0 [hbm4b:s31+s8], $0x78, $0x38;
	[tilespmem:$0x1F600] =	vst v63  }
0x98: {  	s31 =	rddreg [dreg:$0x5]  }
0x99: {  	s30 =	sadd.s32 @!p0 s31, s30;
	s31 =	simm.s32 @!p0 $0x300  }
0x9a: {  	[tilespmem:s31], [sflag:$0x1] =	stream.linear.gather @!p0 [hbm4b:s30+s8], $0x78, $0x38;
	[tilespmem:$0x1F600] =	vst v63  }
0x9b: {  	_ =	swait.ge [sflag:s23], $0x78  }
0x9c: {  	[sflag:s23] =	ssyncset.done $0x0  }
0x9d: {  	[sflag:s23] =	ssyncadd.s32 $0xFFFFFF88  }
0x9e: {  	_ =	swait.ge [sflag:s23], $0x78  }
0x9f: {  	[sflag:s23] =	ssyncset.done $0x0  }
0xa0: {  	[sflag:s23] =	ssyncadd.s32 $0xFFFFFF88  }
0xa1: {  	[tilespmem:s18], [sflag:$0x8] =	stream.indirect.gather [hbm4b:s1+s14], $0x80, s17, s14, $0xb8;
	[tilespmem:$0x1F600] =	vst v63  }
0xa2: {  	_ =	swait.ge [sflag:s19], $0x3C00  }
0xa3: {  	[sflag:s19] =	ssyncset.done $0x0  }
0xa4: {  	[sflag:s19] =	ssyncadd.s32 $0xFFFFC400  }
0xa5: {  	[spmem:s4] =	stream.indirect.scatter.add.f32 [tilespmem:s15], [sflag:$0xA], $0x80, s26, s14, $0xb8;
	[tilespmem:$0x1F600] =	vst v63  }
0xa6: {  	_ =	swait.ge [sflag:s24], $0x3C00  }
0xa7: {  	[sflag:s24] =	ssyncset.done $0x0;
	s30 =	rddreg [dreg:$0x18]  }
0xa8: {  	s31 =	simm.s32 @!p0 $0x80;
	[sflag:s24] =	ssyncadd.s32 $0xFFFFC400;
	s30 =	sadd.s32 @!p0 s29, s30  }
0xa9: {  	[tilespmem:s31], [sflag:$0x2] =	stream.linear.gather @!p0 [hbm4b:s30+s8], $0x78, $0x38;
	[tilespmem:$0x1F600] =	vst v63  }
0xaa: {  	s30 =	rddreg [dreg:$0x17]  }
0xab: {  	s31 =	simm.s32 @!p0 $0x380;
	s30 =	sadd.s32 @!p0 s29, s30  }
0xac: {  	[tilespmem:s31], [sflag:$0x2] =	stream.linear.gather @!p0 [hbm4b:s30+s8], $0x78, $0x38;
	[tilespmem:$0x1F600] =	vst v63  }
0xad: {  	_ =	swait.ge [sflag:s25], $0x78  }
0xae: {  	[sflag:s25] =	ssyncset.done $0x0  }
0xaf: {  	[sflag:s25] =	ssyncadd.s32 $0xFFFFFF88  }
0xb0: {  	_ =	swait.ge [sflag:s25], $0x78  }
0xb1: {  	[sflag:s25] =	ssyncset.done $0x0  }
0xb2: {  	[sflag:s25] =	ssyncadd.s32 $0xFFFFFF88  }
0xb3: {  	[tilespmem:s3], [sflag:$0x9] =	stream.indirect.gather [hbm4b:s1+s14], $0x80, s6, s14, $0xb8;
	[tilespmem:$0x1F600] =	vst v63  }
0xb4: {  	_ =	swait.ge [sflag:s0], $0x3C00  }
0xb5: {  	[sflag:s0] =	ssyncset.done $0x0  }
.Ltmp2:
0xb6: {  	[sflag:s0] =	ssyncadd.s32 $0xFFFFC400;
	(pc) =	sbr.rel @p0 .LBB2_4-.Ltmp2, $4  }
0xb7: {  	[spmem:s4] =	stream.indirect.scatter.add.f32 [tilespmem:s18], [sflag:$0xB], $0x80, s7, s14, $0xb8;
	[tilespmem:$0x1F600] =	vst v63  }
0xb8: {  	_ =	swait.ge [sflag:s2], $0x3C00  }
0xb9: {  	s11 =	simm.s32 $0x180;
	[sflag:s2] =	ssyncset.done $0x0  }
0xba: {  	s10 =	simm.s32 $0x400;
	s9 =	simm.s32 $0x100;
	[sflag:s2] =	ssyncadd.s32 $0xFFFFC400  }
0xbb: {  	s8 =	rddreg [dreg:$0x16]  }
0xbc: {  	s8 =	sadd.s32 s29, s8  }
0xbd: {  	[tilespmem:s9], [sflag:$0x3] =	stream.linear.gather [hbm4b:s8+s5], $0x78, $0x38;
	[tilespmem:$0x1F600] =	vst v63  }
0xbe: {  	s9 =	rddreg [dreg:$0x15]  }
0xbf: {  	s8 =	sadd.s32 s29, s9  }
0xc0: {  	[tilespmem:s10], [sflag:$0x3] =	stream.linear.gather [hbm4b:s8+s5], $0x78, $0x38;
	[tilespmem:$0x1F600] =	vst v63  }
0xc1: {  	_ =	swait.ge [sflag:s13], $0x78  }
0xc2: {  	[sflag:s13] =	ssyncset.done $0x0  }
0xc3: {  	[sflag:s13] =	ssyncadd.s32 $0xFFFFFF88  }
0xc4: {  	_ =	swait.ge [sflag:s13], $0x78  }
0xc5: {  	[sflag:s13] =	ssyncset.done $0x0  }
0xc6: {  	[sflag:s13] =	ssyncadd.s32 $0xFFFFFF88  }
0xc7: {  	[tilespmem:s15], [sflag:$0x7] =	stream.indirect.gather [hbm4b:s1+s14], $0x80, s5, s14, $0xb8;
	[tilespmem:$0x1F600] =	vst v63  }
0xc8: {  	_ =	swait.ge [sflag:s21], $0x3C00  }
0xc9: {  	[sflag:s21] =	ssyncset.done $0x0  }
0xca: {  	s6 =	simm.s32 $0x580;
	[sflag:s21] =	ssyncadd.s32 $0xFFFFC400  }
0xcb: {  	[spmem:s4] =	stream.indirect.scatter.add.f32 [tilespmem:s3], [sflag:$0xC], $0x80, s6, s14, $0xb8;
	[tilespmem:$0x1F600] =	vst v63  }
0xcc: {  	_ =	swait.ge [sflag:s22], $0x3C00  }
0xcd: {  	[sflag:s22] =	ssyncset.done $0x0;
	s10 =	rddreg [dreg:$0x14]  }
0xce: {  	[sflag:s22] =	ssyncadd.s32 $0xFFFFC400;
	s8 =	sadd.s32 s29, s10  }
0xcf: {  	[tilespmem:s11], [sflag:$0x4] =	stream.linear.gather [hbm4b:s8+s5], $0x78, $0x38;
	[tilespmem:$0x1F600] =	vst v63  }
0xd0: {  	s11 =	rddreg [dreg:$0x13]  }
0xd1: {  	s8 =	sadd.s32 s29, s11  }
0xd2: {  	[tilespmem:s26], [sflag:$0x4] =	stream.linear.gather [hbm4b:s8+s5], $0x78, $0x38;
	[tilespmem:$0x1F600] =	vst v63  }
0xd3: {  	_ =	swait.ge [sflag:s16], $0x78  }
0xd4: {  	[sflag:s16] =	ssyncset.done $0x0  }
.Ltmp3:
0xd5: {  	[sflag:s16] =	ssyncadd.s32 $0xFFFFFF88;
	(pc) =	sbr.rel .LBB2_2-.Ltmp3, $4  }
0xd6: {  	s30 =	simm.s32 $0x80;
	s28 =	sadd.s32 $0x2D0, s28;
	_ =	swait.ge [sflag:s16], $0x78  }
0xd7: {  	s31 =	simm.s32 $0x100;
	s9 =	simm.s32 $0x400;
	[sflag:s16] =	ssyncset.done $0x0  }
0xd8: {  	s10 =	simm.s32 $0x180;
	s29 =	sadd.s32 $0x5A, s29;
	[sflag:s16] =	ssyncadd.s32 $0xFFFFFF88  }
0xd9: {  	[tilespmem:s18], [sflag:$0x8] =	stream.indirect.gather [hbm4b:s1+s14], $0x80, s30, s14, $0xb8;
	[tilespmem:$0x1F600] =	vst v63  }
.LBB2_5:
0xda: {  	_ =	sfence.sel $0x180000  }
0xdb: {  	[bflag:$0x0] =	sbarrier.arrive $0xFFFF  }
0xdc: {  	_ =	strace $0x90000047  }
0xdd: {  	s0 =	stileid.u32;
	[bflag:$0x2] =	sbarrier.arrive $0xFFFF  }
0xde: {  	p0 =	sne.s32 s0, $0x0;
	s0 =	rddreg [dreg:$0x4]  }
0xdf: {  	s0 =	sadd.s32 @!p0 $0x100000, s0  }
0xe0: {  	[sflag:s0] =	ssyncadd.tile.s32 @!p0 $0x1;
	_ =	shalt  }
.Lfunc_end2:
_tile_overlayer_lowered:
.L_overlay_start_2:
0xe1: {  	(tag) =	ssettag $0x2  }
0xe2: {  	s0 =	rddreg [dreg:$0x0];
	s2 =	stileid.u32  }
0xe3: {  	s1 =	rddreg [dreg:$0x1];
	p0 =	sne.s32 s2, $0x0  }
0xe4: {  	s3 =	rddreg [dreg:$0x2];
	[bflag:$0x3] =	sbarrier.arrive $0xFFFF;
	s2 =	simm.s32 @!p0 $0x1C0D  }
0xe5: {  	[timem:s3], [sflag:s2] =	dma.local @!p0 [hbm:s0], s1  }
0xe6: {  	s0 =	simm.s32 @!p0 $0xD  }
0xe7: {  	_ =	swait.ge @!p0 [sflag:s0], s1  }
0xe8: {  	s1 =	ssub.s32 @!p0 $0x0, s1;
	[sflag:s0] =	ssyncset.done @!p0 $0x0  }
0xe9: {  	[sflag:s0] =	ssyncadd.s32 @!p0 s1  }
0xea: {  	[bflag:$0x3] =	sbarrier.arrive $0xFFFF  }
0xeb: {  	_ =	shalt  }

</sc_bundles>
